<compile_context>
chip_gen: v7x
topology: tpu7x:2x2x1
jax: 0.10.2.dev20260603
libtpu: 0.0.44.dev20260713+nightly
codegen_flags: <defaults>
</compile_context>

<pallas_src>
import functools

import jax
import jax.numpy as jnp
from jax import lax
from jax.experimental import pallas as pl
from jax.experimental.pallas import tpu as pltpu
from jax.experimental.pallas import tpu_sc as plsc

D = 128
NC = 2
NS = 16
NW = NC * NS
CHUNK = 128
NBUF = 7
LEAD = 5


@functools.lru_cache(maxsize=None)
def _make_gather(n_rows: int):
    per_w = n_rows // NW
    assert per_w * NW == n_rows and per_w % CHUNK == 0
    nchunk = per_w // CHUNK
    n_outer = -(-nchunk // NBUF) * NBUF
    mesh = plsc.VectorSubcoreMesh(
        core_axis_name="c", subcore_axis_name="s",
        num_cores=NC, num_subcores=NS)

    @functools.partial(
        pl.kernel,
        out_type=jax.ShapeDtypeStruct((n_rows, D), jnp.float32),
        mesh=mesh,
        scratch_types=[
            pltpu.VMEM((nchunk, CHUNK), jnp.int32),
            pltpu.VMEM((NBUF, CHUNK, D), jnp.float32),
            pltpu.SemaphoreType.DMA((NBUF,)),
            pltpu.SemaphoreType.DMA((NBUF,)),
        ],
    )
    def gather_kernel(idx_hbm, table_hbm, out_hbm, idx_v, rows_v, gsem, osem):
        wid = lax.axis_index("s") * NC + lax.axis_index("c")
        row0 = wid * per_w
        pltpu.sync_copy(idx_hbm.at[wid], idx_v)

        for b in range(LEAD):
            pltpu.async_copy(table_hbm.at[idx_v.at[b]], rows_v.at[b],
                             gsem.at[b])

        @pl.loop(0, n_outer, step=NBUF)
        def _outer(j):
            for b in range(NBUF):
                c = j + b

                @pl.when(c < nchunk)
                def _process():
                    pltpu.make_async_copy(table_hbm.at[idx_v.at[c]],
                                          rows_v.at[b], gsem.at[b]).wait()
                    pltpu.async_copy(
                        rows_v.at[b],
                        out_hbm.at[pl.ds(row0 + c * CHUNK, CHUNK)],
                        osem.at[b])
                    f = c + LEAD
                    bf = (b + LEAD) % NBUF

                    @pl.when(f < nchunk)
                    def _issue():
                        @pl.when(f >= NBUF)
                        def _drain():
                            pltpu.make_async_copy(
                                rows_v.at[bf],
                                out_hbm.at[pl.ds(row0, CHUNK)],
                                osem.at[bf]).wait()

                        pltpu.async_copy(table_hbm.at[idx_v.at[f]],
                                         rows_v.at[bf], gsem.at[bf])

        for b in range(min(NBUF, nchunk)):
            pltpu.make_async_copy(rows_v.at[b],
                                  out_hbm.at[pl.ds(row0, CHUNK)],
                                  osem.at[b]).wait()

    return gather_kernel


def kernel(x, table):
    b, h = x.shape
    idx = x.T.reshape(-1).astype(jnp.int32)
    n = idx.shape[0]
    out = _make_gather(n)(idx.reshape(NW, n // NW // CHUNK, CHUNK),
                          table.astype(jnp.float32))
    return out.reshape(h, b, D).transpose(1, 0, 2)

# --- scband reference (transcript-rebuilt; emitter-appended) ---
"""Pipeline reference for scband-projected-embedding-67757404062067 (READ-ONLY COPY).

The authoritative reference and input builder live on the scoring server;
editing this copy changes nothing except your own understanding.
"""

import jax, jax.numpy as jnp
import numpy as np

VOCAB = 100000
EMBED_DIM = 128
BATCH = 4096
HIST = 50

def setup_inputs(seed: int = 0) -> dict:
    key = jax.random.key(seed)
    k1, k2 = jax.random.split(key)
    x = jax.random.randint(k1, (BATCH, HIST), 0, VOCAB, dtype=jnp.int64) if jax.config.jax_enable_x64 else jax.random.randint(k1, (BATCH, HIST), 0, VOCAB, dtype=jnp.int32)
    table = jax.random.normal(k2, (VOCAB, EMBED_DIM), dtype=jnp.float32) * 0.02
    return {"x": x, "table": table}

def reference(x, table):
    # ProjectedEmbedding.forward with initialized_compression=False (default):
    # result = self.embedding(x)
    result = jnp.take(table, x, axis=0)
    return result

if __name__ == "__main__":
    import jax
    _d = setup_inputs()
    print(jax.jit(kernel)(*tuple(_d.values())))

</pallas_src>

<mosaic_0001>
#map = affine_map<(d0, d1) -> (0, 0, 0)>
#map1 = affine_map<(d0, d1) -> (0, 0)>
module attributes {stable_mosaic.version = 14 : i64} {
  func.func @gather_kernel(%arg0: i32, %arg1: i32, %arg2: memref<32x50x128xi32, #tpu.memory_space<hbm>>, %arg3: memref<100000x128xf32, #tpu.memory_space<hbm>>, %arg4: memref<204800x128xf32, #tpu.memory_space<hbm>>, %arg5: memref<50x128xi32, #tpu.memory_space<vmem>>, %arg6: memref<7x128x128xf32, #tpu.memory_space<vmem>>, %arg7: memref<7x!tpu.dma_semaphore, #tpu.memory_space<semaphore_mem>>, %arg8: memref<7x!tpu.dma_semaphore, #tpu.memory_space<semaphore_mem>>) attributes {dimension_semantics = [#tpu.dimension_semantics<core_parallel>, #tpu.dimension_semantics<subcore_parallel>], iteration_bounds = array<i64: 2, 16>, scalar_prefetch = 0 : i64, scratch_operands = 4 : i64, tpu.core_type = #tpu.core_type<sc_vector_subcore>, window_params = [{transform_indices = #map}, {transform_indices = #map1}, {transform_indices = #map1}]} {
    %mul3A = arith.constant 2 : i32
    %mul3A_0 = arith.muli %arg1, %mul3A : i32
    %add3A = arith.addi %mul3A_0, %arg0 : i32
    %mul3A_1 = arith.constant 6400 : i32
    %mul3A_2 = arith.muli %add3A, %mul3A_1 : i32
    "tpu.region"() ({
      %run_scoped3A = tpu.sem_alloc : memref<!tpu.dma_semaphore, #tpu.memory_space<semaphore_mem>>
      %dma_start3A_192 = arith.constant 0 : i32
      %dma_start3A_193 = arith.constant 0 : i32
      %dma_start3A_194 = tpu.memref_slice %arg2[%add3A, %dma_start3A_192, %dma_start3A_193] : memref<32x50x128xi32, #tpu.memory_space<hbm>> -> memref<1x50x128xi32, #tpu.memory_space<hbm>>
      %dma_start3A_195 = tpu.memref_squeeze %dma_start3A_194 : memref<1x50x128xi32, #tpu.memory_space<hbm>> -> memref<50x128xi32, #tpu.memory_space<hbm>>
      %dma_start3A_196 = arith.constant 0 : i32
      %dma_start3A_197 = arith.constant 0 : i32
      %dma_start3A_198 = tpu.memref_slice %arg2[%add3A, %dma_start3A_196, %dma_start3A_197] : memref<32x50x128xi32, #tpu.memory_space<hbm>> -> memref<1x50x128xi32, #tpu.memory_space<hbm>>
      %dma_start3A_199 = tpu.memref_squeeze %dma_start3A_198 : memref<1x50x128xi32, #tpu.memory_space<hbm>> -> memref<50x128xi32, #tpu.memory_space<hbm>>
      tpu.enqueue_dma source(%dma_start3A_199 : memref<50x128xi32, #tpu.memory_space<hbm>>) target(%arg5 : memref<50x128xi32, #tpu.memory_space<vmem>>) target_semaphore(%run_scoped3A : memref<!tpu.dma_semaphore, #tpu.memory_space<semaphore_mem>>)
      %dma_wait3A_200 = arith.constant 0 : i32
      %dma_wait3A_201 = arith.constant 0 : i32
      %dma_wait3A_202 = tpu.memref_slice %arg2[%add3A, %dma_wait3A_200, %dma_wait3A_201] : memref<32x50x128xi32, #tpu.memory_space<hbm>> -> memref<1x50x128xi32, #tpu.memory_space<hbm>>
      %dma_wait3A_203 = tpu.memref_squeeze %dma_wait3A_202 : memref<1x50x128xi32, #tpu.memory_space<hbm>> -> memref<50x128xi32, #tpu.memory_space<hbm>>
      %dma_wait3A_204 = arith.constant 0 : i32
      %dma_wait3A_205 = arith.constant 0 : i32
      %dma_wait3A_206 = tpu.memref_slice %arg2[%add3A, %dma_wait3A_204, %dma_wait3A_205] : memref<32x50x128xi32, #tpu.memory_space<hbm>> -> memref<1x50x128xi32, #tpu.memory_space<hbm>>
      %dma_wait3A_207 = tpu.memref_squeeze %dma_wait3A_206 : memref<1x50x128xi32, #tpu.memory_space<hbm>> -> memref<50x128xi32, #tpu.memory_space<hbm>>
      tpu.wait_dma2 semaphore(%run_scoped3A : memref<!tpu.dma_semaphore, #tpu.memory_space<semaphore_mem>>) src(%dma_wait3A_207 : memref<50x128xi32, #tpu.memory_space<hbm>>) dst(%arg5 : memref<50x128xi32, #tpu.memory_space<vmem>>)
      tpu.yield
    }) : () -> ()
    %dma_start3A = arith.constant 0 : i32
    %dma_start3A_3 = arith.constant 0 : i32
    %dma_start3A_4 = arith.constant 0 : i32
    %dma_start3A_5 = arith.constant 0 : i32
    %dma_start3A_6 = arith.constant 0 : i32
    %dma_start3A_7 = tpu.memref_slice %arg6[%dma_start3A_3, %dma_start3A_5, %dma_start3A_6] : memref<7x128x128xf32, #tpu.memory_space<vmem>> -> memref<1x128x128xf32, #tpu.memory_space<vmem>>
    %dma_start3A_8 = tpu.memref_squeeze %dma_start3A_7 : memref<1x128x128xf32, #tpu.memory_space<vmem>> -> memref<128x128xf32, #tpu.memory_space<vmem>>
    %dma_start3A_9 = arith.constant 0 : i32
    %dma_start3A_10 = tpu.memref_slice %arg5[%dma_start3A, %dma_start3A_9] : memref<50x128xi32, #tpu.memory_space<vmem>> -> memref<1x128xi32, #tpu.memory_space<vmem>>
    %dma_start3A_11 = tpu.memref_squeeze %dma_start3A_10 : memref<1x128xi32, #tpu.memory_space<vmem>> -> memref<128xi32, #tpu.memory_space<vmem>>
    %dma_start3A_12 = arith.constant 0 : i32
    %dma_start3A_13 = arith.constant 0 : i32
    %dma_start3A_14 = tpu.memref_slice %arg3[%dma_start3A_12, %dma_start3A_13] : memref<100000x128xf32, #tpu.memory_space<hbm>> -> memref<100000x128xf32, #tpu.memory_space<hbm>>
    %dma_start3A_15 = tpu.memref_slice %arg7[%dma_start3A_4] : memref<7x!tpu.dma_semaphore, #tpu.memory_space<semaphore_mem>> -> memref<1x!tpu.dma_semaphore, #tpu.memory_space<semaphore_mem>>
    %dma_start3A_16 = tpu.memref_squeeze %dma_start3A_15 : memref<1x!tpu.dma_semaphore, #tpu.memory_space<semaphore_mem>> -> memref<!tpu.dma_semaphore, #tpu.memory_space<semaphore_mem>>
    tpu.enqueue_indirect_dma source(%dma_start3A_14 : memref<100000x128xf32, #tpu.memory_space<hbm>>) target(%dma_start3A_8 : memref<128x128xf32, #tpu.memory_space<vmem>>) offsets(%dma_start3A_11 : memref<128xi32, #tpu.memory_space<vmem>>) semaphore(%dma_start3A_16 : memref<!tpu.dma_semaphore, #tpu.memory_space<semaphore_mem>>)
    %dma_start3A_17 = arith.constant 1 : i32
    %dma_start3A_18 = arith.constant 1 : i32
    %dma_start3A_19 = arith.constant 1 : i32
    %dma_start3A_20 = arith.constant 0 : i32
    %dma_start3A_21 = arith.constant 0 : i32
    %dma_start3A_22 = tpu.memref_slice %arg6[%dma_start3A_18, %dma_start3A_20, %dma_start3A_21] : memref<7x128x128xf32, #tpu.memory_space<vmem>> -> memref<1x128x128xf32, #tpu.memory_space<vmem>>
    %dma_start3A_23 = tpu.memref_squeeze %dma_start3A_22 : memref<1x128x128xf32, #tpu.memory_space<vmem>> -> memref<128x128xf32, #tpu.memory_space<vmem>>
    %dma_start3A_24 = arith.constant 0 : i32
    %dma_start3A_25 = tpu.memref_slice %arg5[%dma_start3A_17, %dma_start3A_24] : memref<50x128xi32, #tpu.memory_space<vmem>> -> memref<1x128xi32, #tpu.memory_space<vmem>>
    %dma_start3A_26 = tpu.memref_squeeze %dma_start3A_25 : memref<1x128xi32, #tpu.memory_space<vmem>> -> memref<128xi32, #tpu.memory_space<vmem>>
    %dma_start3A_27 = arith.constant 0 : i32
    %dma_start3A_28 = arith.constant 0 : i32
    %dma_start3A_29 = tpu.memref_slice %arg3[%dma_start3A_27, %dma_start3A_28] : memref<100000x128xf32, #tpu.memory_space<hbm>> -> memref<100000x128xf32, #tpu.memory_space<hbm>>
    %dma_start3A_30 = tpu.memref_slice %arg7[%dma_start3A_19] : memref<7x!tpu.dma_semaphore, #tpu.memory_space<semaphore_mem>> -> memref<1x!tpu.dma_semaphore, #tpu.memory_space<semaphore_mem>>
    %dma_start3A_31 = tpu.memref_squeeze %dma_start3A_30 : memref<1x!tpu.dma_semaphore, #tpu.memory_space<semaphore_mem>> -> memref<!tpu.dma_semaphore, #tpu.memory_space<semaphore_mem>>
    tpu.enqueue_indirect_dma source(%dma_start3A_29 : memref<100000x128xf32, #tpu.memory_space<hbm>>) target(%dma_start3A_23 : memref<128x128xf32, #tpu.memory_space<vmem>>) offsets(%dma_start3A_26 : memref<128xi32, #tpu.memory_space<vmem>>) semaphore(%dma_start3A_31 : memref<!tpu.dma_semaphore, #tpu.memory_space<semaphore_mem>>)
    %dma_start3A_32 = arith.constant 2 : i32
    %dma_start3A_33 = arith.constant 2 : i32
    %dma_start3A_34 = arith.constant 2 : i32
    %dma_start3A_35 = arith.constant 0 : i32
    %dma_start3A_36 = arith.constant 0 : i32
    %dma_start3A_37 = tpu.memref_slice %arg6[%dma_start3A_33, %dma_start3A_35, %dma_start3A_36] : memref<7x128x128xf32, #tpu.memory_space<vmem>> -> memref<1x128x128xf32, #tpu.memory_space<vmem>>
    %dma_start3A_38 = tpu.memref_squeeze %dma_start3A_37 : memref<1x128x128xf32, #tpu.memory_space<vmem>> -> memref<128x128xf32, #tpu.memory_space<vmem>>
    %dma_start3A_39 = arith.constant 0 : i32
    %dma_start3A_40 = tpu.memref_slice %arg5[%dma_start3A_32, %dma_start3A_39] : memref<50x128xi32, #tpu.memory_space<vmem>> -> memref<1x128xi32, #tpu.memory_space<vmem>>
    %dma_start3A_41 = tpu.memref_squeeze %dma_start3A_40 : memref<1x128xi32, #tpu.memory_space<vmem>> -> memref<128xi32, #tpu.memory_space<vmem>>
    %dma_start3A_42 = arith.constant 0 : i32
    %dma_start3A_43 = arith.constant 0 : i32
    %dma_start3A_44 = tpu.memref_slice %arg3[%dma_start3A_42, %dma_start3A_43] : memref<100000x128xf32, #tpu.memory_space<hbm>> -> memref<100000x128xf32, #tpu.memory_space<hbm>>
    %dma_start3A_45 = tpu.memref_slice %arg7[%dma_start3A_34] : memref<7x!tpu.dma_semaphore, #tpu.memory_space<semaphore_mem>> -> memref<1x!tpu.dma_semaphore, #tpu.memory_space<semaphore_mem>>
    %dma_start3A_46 = tpu.memref_squeeze %dma_start3A_45 : memref<1x!tpu.dma_semaphore, #tpu.memory_space<semaphore_mem>> -> memref<!tpu.dma_semaphore, #tpu.memory_space<semaphore_mem>>
    tpu.enqueue_indirect_dma source(%dma_start3A_44 : memref<100000x128xf32, #tpu.memory_space<hbm>>) target(%dma_start3A_38 : memref<128x128xf32, #tpu.memory_space<vmem>>) offsets(%dma_start3A_41 : memref<128xi32, #tpu.memory_space<vmem>>) semaphore(%dma_start3A_46 : memref<!tpu.dma_semaphore, #tpu.memory_space<semaphore_mem>>)
    %dma_start3A_47 = arith.constant 3 : i32
    %dma_start3A_48 = arith.constant 3 : i32
    %dma_start3A_49 = arith.constant 3 : i32
    %dma_start3A_50 = arith.constant 0 : i32
    %dma_start3A_51 = arith.constant 0 : i32
    %dma_start3A_52 = tpu.memref_slice %arg6[%dma_start3A_48, %dma_start3A_50, %dma_start3A_51] : memref<7x128x128xf32, #tpu.memory_space<vmem>> -> memref<1x128x128xf32, #tpu.memory_space<vmem>>
    %dma_start3A_53 = tpu.memref_squeeze %dma_start3A_52 : memref<1x128x128xf32, #tpu.memory_space<vmem>> -> memref<128x128xf32, #tpu.memory_space<vmem>>
    %dma_start3A_54 = arith.constant 0 : i32
    %dma_start3A_55 = tpu.memref_slice %arg5[%dma_start3A_47, %dma_start3A_54] : memref<50x128xi32, #tpu.memory_space<vmem>> -> memref<1x128xi32, #tpu.memory_space<vmem>>
    %dma_start3A_56 = tpu.memref_squeeze %dma_start3A_55 : memref<1x128xi32, #tpu.memory_space<vmem>> -> memref<128xi32, #tpu.memory_space<vmem>>
    %dma_start3A_57 = arith.constant 0 : i32
    %dma_start3A_58 = arith.constant 0 : i32
    %dma_start3A_59 = tpu.memref_slice %arg3[%dma_start3A_57, %dma_start3A_58] : memref<100000x128xf32, #tpu.memory_space<hbm>> -> memref<100000x128xf32, #tpu.memory_space<hbm>>
    %dma_start3A_60 = tpu.memref_slice %arg7[%dma_start3A_49] : memref<7x!tpu.dma_semaphore, #tpu.memory_space<semaphore_mem>> -> memref<1x!tpu.dma_semaphore, #tpu.memory_space<semaphore_mem>>
    %dma_start3A_61 = tpu.memref_squeeze %dma_start3A_60 : memref<1x!tpu.dma_semaphore, #tpu.memory_space<semaphore_mem>> -> memref<!tpu.dma_semaphore, #tpu.memory_space<semaphore_mem>>
    tpu.enqueue_indirect_dma source(%dma_start3A_59 : memref<100000x128xf32, #tpu.memory_space<hbm>>) target(%dma_start3A_53 : memref<128x128xf32, #tpu.memory_space<vmem>>) offsets(%dma_start3A_56 : memref<128xi32, #tpu.memory_space<vmem>>) semaphore(%dma_start3A_61 : memref<!tpu.dma_semaphore, #tpu.memory_space<semaphore_mem>>)
    %dma_start3A_62 = arith.constant 4 : i32
    %dma_start3A_63 = arith.constant 4 : i32
    %dma_start3A_64 = arith.constant 4 : i32
    %dma_start3A_65 = arith.constant 0 : i32
    %dma_start3A_66 = arith.constant 0 : i32
    %dma_start3A_67 = tpu.memref_slice %arg6[%dma_start3A_63, %dma_start3A_65, %dma_start3A_66] : memref<7x128x128xf32, #tpu.memory_space<vmem>> -> memref<1x128x128xf32, #tpu.memory_space<vmem>>
    %dma_start3A_68 = tpu.memref_squeeze %dma_start3A_67 : memref<1x128x128xf32, #tpu.memory_space<vmem>> -> memref<128x128xf32, #tpu.memory_space<vmem>>
    %dma_start3A_69 = arith.constant 0 : i32
    %dma_start3A_70 = tpu.memref_slice %arg5[%dma_start3A_62, %dma_start3A_69] : memref<50x128xi32, #tpu.memory_space<vmem>> -> memref<1x128xi32, #tpu.memory_space<vmem>>
    %dma_start3A_71 = tpu.memref_squeeze %dma_start3A_70 : memref<1x128xi32, #tpu.memory_space<vmem>> -> memref<128xi32, #tpu.memory_space<vmem>>
    %dma_start3A_72 = arith.constant 0 : i32
    %dma_start3A_73 = arith.constant 0 : i32
    %dma_start3A_74 = tpu.memref_slice %arg3[%dma_start3A_72, %dma_start3A_73] : memref<100000x128xf32, #tpu.memory_space<hbm>> -> memref<100000x128xf32, #tpu.memory_space<hbm>>
    %dma_start3A_75 = tpu.memref_slice %arg7[%dma_start3A_64] : memref<7x!tpu.dma_semaphore, #tpu.memory_space<semaphore_mem>> -> memref<1x!tpu.dma_semaphore, #tpu.memory_space<semaphore_mem>>
    %dma_start3A_76 = tpu.memref_squeeze %dma_start3A_75 : memref<1x!tpu.dma_semaphore, #tpu.memory_space<semaphore_mem>> -> memref<!tpu.dma_semaphore, #tpu.memory_space<semaphore_mem>>
    tpu.enqueue_indirect_dma source(%dma_start3A_74 : memref<100000x128xf32, #tpu.memory_space<hbm>>) target(%dma_start3A_68 : memref<128x128xf32, #tpu.memory_space<vmem>>) offsets(%dma_start3A_71 : memref<128xi32, #tpu.memory_space<vmem>>) semaphore(%dma_start3A_76 : memref<!tpu.dma_semaphore, #tpu.memory_space<semaphore_mem>>)
    %scan3A = arith.constant 0 : i32
    %scan3A_77 = arith.constant 8 : i32
    %scan3A_78 = arith.addi %scan3A, %scan3A_77 : i32
    %scan3A_79 = arith.constant 1 : i32
    scf.for %scan3A_192 = %scan3A to %scan3A_78 step %scan3A_79  : i32 {
      %mul3A_193 = arith.constant 7 : i32
      %mul3A_194 = arith.muli %scan3A_192, %mul3A_193 : i32
      %add3A_195 = arith.constant 0 : i32
      %add3A_196 = arith.addi %add3A_195, %mul3A_194 : i32
      %add3A_197 = arith.constant 0 : i32
      %add3A_198 = arith.addi %add3A_196, %add3A_197 : i32
      %lt3A = arith.constant 50 : i32
      %lt3A_199 = arith.cmpi slt, %add3A_198, %lt3A : i32
      %convert_element_type3A = arith.extui %lt3A_199 : i1 to i32
      %cond3A = arith.constant 0 : i32
      %cond3A_200 = arith.cmpi ne, %convert_element_type3A, %cond3A : i32
      scf.if %cond3A_200 {
        %dma_wait3A_243 = arith.constant 0 : i32
        %dma_wait3A_244 = arith.constant 0 : i32
        %dma_wait3A_245 = arith.constant 0 : i32
        %dma_wait3A_246 = arith.constant 0 : i32
        %dma_wait3A_247 = tpu.memref_slice %arg6[%dma_wait3A_243, %dma_wait3A_245, %dma_wait3A_246] : memref<7x128x128xf32, #tpu.memory_space<vmem>> -> memref<1x128x128xf32, #tpu.memory_space<vmem>>
        %dma_wait3A_248 = tpu.memref_squeeze %dma_wait3A_247 : memref<1x128x128xf32, #tpu.memory_space<vmem>> -> memref<128x128xf32, #tpu.memory_space<vmem>>
        %dma_wait3A_249 = arith.constant 0 : i32
        %dma_wait3A_250 = tpu.memref_slice %arg5[%add3A_198, %dma_wait3A_249] : memref<50x128xi32, #tpu.memory_space<vmem>> -> memref<1x128xi32, #tpu.memory_space<vmem>>
        %dma_wait3A_251 = tpu.memref_squeeze %dma_wait3A_250 : memref<1x128xi32, #tpu.memory_space<vmem>> -> memref<128xi32, #tpu.memory_space<vmem>>
        %dma_wait3A_252 = arith.constant 0 : i32
        %dma_wait3A_253 = arith.constant 0 : i32
        %dma_wait3A_254 = tpu.memref_slice %arg3[%dma_wait3A_252, %dma_wait3A_253] : memref<100000x128xf32, #tpu.memory_space<hbm>> -> memref<100000x128xf32, #tpu.memory_space<hbm>>
        %dma_wait3A_255 = tpu.memref_slice %arg7[%dma_wait3A_244] : memref<7x!tpu.dma_semaphore, #tpu.memory_space<semaphore_mem>> -> memref<1x!tpu.dma_semaphore, #tpu.memory_space<semaphore_mem>>
        %dma_wait3A_256 = tpu.memref_squeeze %dma_wait3A_255 : memref<1x!tpu.dma_semaphore, #tpu.memory_space<semaphore_mem>> -> memref<!tpu.dma_semaphore, #tpu.memory_space<semaphore_mem>>
        tpu.wait_indirect_dma semaphore(%dma_wait3A_256 : memref<!tpu.dma_semaphore, #tpu.memory_space<semaphore_mem>>) src(%dma_wait3A_254 : memref<100000x128xf32, #tpu.memory_space<hbm>>) dst(%dma_wait3A_248 : memref<128x128xf32, #tpu.memory_space<vmem>>)
        %mul3A_257 = arith.constant 128 : i32
        %mul3A_258 = arith.muli %add3A_198, %mul3A_257 : i32
        %add3A_259 = arith.addi %mul3A_2, %mul3A_258 : i32
        %dma_start3A_260 = arith.constant 0 : i32
        %dma_start3A_261 = arith.constant 0 : i32
        %dma_start3A_262 = arith.constant 0 : i32
        %dma_start3A_263 = arith.constant 0 : i32
        %dma_start3A_264 = tpu.memref_slice %arg6[%dma_start3A_260, %dma_start3A_262, %dma_start3A_263] : memref<7x128x128xf32, #tpu.memory_space<vmem>> -> memref<1x128x128xf32, #tpu.memory_space<vmem>>
        %dma_start3A_265 = tpu.memref_squeeze %dma_start3A_264 : memref<1x128x128xf32, #tpu.memory_space<vmem>> -> memref<128x128xf32, #tpu.memory_space<vmem>>
        %dma_start3A_266 = arith.constant 0 : i32
        %dma_start3A_267 = tpu.memref_slice %arg4[%add3A_259, %dma_start3A_266] : memref<204800x128xf32, #tpu.memory_space<hbm>> -> memref<128x128xf32, #tpu.memory_space<hbm>>
        %dma_start3A_268 = tpu.memref_slice %arg8[%dma_start3A_261] : memref<7x!tpu.dma_semaphore, #tpu.memory_space<semaphore_mem>> -> memref<1x!tpu.dma_semaphore, #tpu.memory_space<semaphore_mem>>
        %dma_start3A_269 = tpu.memref_squeeze %dma_start3A_268 : memref<1x!tpu.dma_semaphore, #tpu.memory_space<semaphore_mem>> -> memref<!tpu.dma_semaphore, #tpu.memory_space<semaphore_mem>>
        %dma_start3A_270 = arith.constant 0 : i32
        %dma_start3A_271 = tpu.memref_slice %arg4[%add3A_259, %dma_start3A_270] : memref<204800x128xf32, #tpu.memory_space<hbm>> -> memref<128x128xf32, #tpu.memory_space<hbm>>
        %dma_start3A_272 = arith.constant 0 : i32
        %dma_start3A_273 = arith.constant 0 : i32
        %dma_start3A_274 = tpu.memref_slice %arg6[%dma_start3A_260, %dma_start3A_272, %dma_start3A_273] : memref<7x128x128xf32, #tpu.memory_space<vmem>> -> memref<1x128x128xf32, #tpu.memory_space<vmem>>
        %dma_start3A_275 = tpu.memref_squeeze %dma_start3A_274 : memref<1x128x128xf32, #tpu.memory_space<vmem>> -> memref<128x128xf32, #tpu.memory_space<vmem>>
        tpu.enqueue_dma source(%dma_start3A_275 : memref<128x128xf32, #tpu.memory_space<vmem>>) target(%dma_start3A_271 : memref<128x128xf32, #tpu.memory_space<hbm>>) target_semaphore(%dma_start3A_269 : memref<!tpu.dma_semaphore, #tpu.memory_space<semaphore_mem>>)
        %add3A_276 = arith.constant 5 : i32
        %add3A_277 = arith.addi %add3A_198, %add3A_276 : i32
        %lt3A_278 = arith.constant 50 : i32
        %lt3A_279 = arith.cmpi slt, %add3A_277, %lt3A_278 : i32
        %convert_element_type3A_280 = arith.extui %lt3A_279 : i1 to i32
        %cond3A_281 = arith.constant 0 : i32
        %cond3A_282 = arith.cmpi ne, %convert_element_type3A_280, %cond3A_281 : i32
        scf.if %cond3A_282 {
          %ge3A = arith.constant 7 : i32
          %ge3A_283 = arith.cmpi sge, %add3A_277, %ge3A : i32
          %convert_element_type3A_284 = arith.extui %ge3A_283 : i1 to i32
          %cond3A_285 = arith.constant 0 : i32
          %cond3A_286 = arith.cmpi ne, %convert_element_type3A_284, %cond3A_285 : i32
          scf.if %cond3A_286 {
            %dma_wait3A_301 = arith.constant 5 : i32
            %dma_wait3A_302 = arith.constant 5 : i32
            %dma_wait3A_303 = arith.constant 0 : i32
            %dma_wait3A_304 = arith.constant 0 : i32
            %dma_wait3A_305 = tpu.memref_slice %arg6[%dma_wait3A_301, %dma_wait3A_303, %dma_wait3A_304] : memref<7x128x128xf32, #tpu.memory_space<vmem>> -> memref<1x128x128xf32, #tpu.memory_space<vmem>>
            %dma_wait3A_306 = tpu.memref_squeeze %dma_wait3A_305 : memref<1x128x128xf32, #tpu.memory_space<vmem>> -> memref<128x128xf32, #tpu.memory_space<vmem>>
            %dma_wait3A_307 = arith.constant 0 : i32
            %dma_wait3A_308 = tpu.memref_slice %arg4[%mul3A_2, %dma_wait3A_307] : memref<204800x128xf32, #tpu.memory_space<hbm>> -> memref<128x128xf32, #tpu.memory_space<hbm>>
            %dma_wait3A_309 = tpu.memref_slice %arg8[%dma_wait3A_302] : memref<7x!tpu.dma_semaphore, #tpu.memory_space<semaphore_mem>> -> memref<1x!tpu.dma_semaphore, #tpu.memory_space<semaphore_mem>>
            %dma_wait3A_310 = tpu.memref_squeeze %dma_wait3A_309 : memref<1x!tpu.dma_semaphore, #tpu.memory_space<semaphore_mem>> -> memref<!tpu.dma_semaphore, #tpu.memory_space<semaphore_mem>>
            %dma_wait3A_311 = arith.constant 0 : i32
            %dma_wait3A_312 = tpu.memref_slice %arg4[%mul3A_2, %dma_wait3A_311] : memref<204800x128xf32, #tpu.memory_space<hbm>> -> memref<128x128xf32, #tpu.memory_space<hbm>>
            %dma_wait3A_313 = arith.constant 0 : i32
            %dma_wait3A_314 = arith.constant 0 : i32
            %dma_wait3A_315 = tpu.memref_slice %arg6[%dma_wait3A_301, %dma_wait3A_313, %dma_wait3A_314] : memref<7x128x128xf32, #tpu.memory_space<vmem>> -> memref<1x128x128xf32, #tpu.memory_space<vmem>>
            %dma_wait3A_316 = tpu.memref_squeeze %dma_wait3A_315 : memref<1x128x128xf32, #tpu.memory_space<vmem>> -> memref<128x128xf32, #tpu.memory_space<vmem>>
            tpu.wait_dma2 semaphore(%dma_wait3A_310 : memref<!tpu.dma_semaphore, #tpu.memory_space<semaphore_mem>>) src(%dma_wait3A_316 : memref<128x128xf32, #tpu.memory_space<vmem>>) dst(%dma_wait3A_312 : memref<128x128xf32, #tpu.memory_space<hbm>>)
          } else {
          }
          %dma_start3A_287 = arith.constant 5 : i32
          %dma_start3A_288 = arith.constant 5 : i32
          %dma_start3A_289 = arith.constant 0 : i32
          %dma_start3A_290 = arith.constant 0 : i32
          %dma_start3A_291 = tpu.memref_slice %arg6[%dma_start3A_287, %dma_start3A_289, %dma_start3A_290] : memref<7x128x128xf32, #tpu.memory_space<vmem>> -> memref<1x128x128xf32, #tpu.memory_space<vmem>>
          %dma_start3A_292 = tpu.memref_squeeze %dma_start3A_291 : memref<1x128x128xf32, #tpu.memory_space<vmem>> -> memref<128x128xf32, #tpu.memory_space<vmem>>
          %dma_start3A_293 = arith.constant 0 : i32
          %dma_start3A_294 = tpu.memref_slice %arg5[%add3A_277, %dma_start3A_293] : memref<50x128xi32, #tpu.memory_space<vmem>> -> memref<1x128xi32, #tpu.memory_space<vmem>>
          %dma_start3A_295 = tpu.memref_squeeze %dma_start3A_294 : memref<1x128xi32, #tpu.memory_space<vmem>> -> memref<128xi32, #tpu.memory_space<vmem>>
          %dma_start3A_296 = arith.constant 0 : i32
          %dma_start3A_297 = arith.constant 0 : i32
          %dma_start3A_298 = tpu.memref_slice %arg3[%dma_start3A_296, %dma_start3A_297] : memref<100000x128xf32, #tpu.memory_space<hbm>> -> memref<100000x128xf32, #tpu.memory_space<hbm>>
          %dma_start3A_299 = tpu.memref_slice %arg7[%dma_start3A_288] : memref<7x!tpu.dma_semaphore, #tpu.memory_space<semaphore_mem>> -> memref<1x!tpu.dma_semaphore, #tpu.memory_space<semaphore_mem>>
          %dma_start3A_300 = tpu.memref_squeeze %dma_start3A_299 : memref<1x!tpu.dma_semaphore, #tpu.memory_space<semaphore_mem>> -> memref<!tpu.dma_semaphore, #tpu.memory_space<semaphore_mem>>
          tpu.enqueue_indirect_dma source(%dma_start3A_298 : memref<100000x128xf32, #tpu.memory_space<hbm>>) target(%dma_start3A_292 : memref<128x128xf32, #tpu.memory_space<vmem>>) offsets(%dma_start3A_295 : memref<128xi32, #tpu.memory_space<vmem>>) semaphore(%dma_start3A_300 : memref<!tpu.dma_semaphore, #tpu.memory_space<semaphore_mem>>)
        } else {
        }
      } else {
      }
      %add3A_201 = arith.constant 1 : i32
      %add3A_202 = arith.addi %add3A_196, %add3A_201 : i32
      %lt3A_203 = arith.constant 50 : i32
      %lt3A_204 = arith.cmpi slt, %add3A_202, %lt3A_203 : i32
      %convert_element_type3A_205 = arith.extui %lt3A_204 : i1 to i32
      %cond3A_206 = arith.constant 0 : i32
      %cond3A_207 = arith.cmpi ne, %convert_element_type3A_205, %cond3A_206 : i32
      scf.if %cond3A_207 {
        %dma_wait3A_243 = arith.constant 1 : i32
        %dma_wait3A_244 = arith.constant 1 : i32
        %dma_wait3A_245 = arith.constant 0 : i32
        %dma_wait3A_246 = arith.constant 0 : i32
        %dma_wait3A_247 = tpu.memref_slice %arg6[%dma_wait3A_243, %dma_wait3A_245, %dma_wait3A_246] : memref<7x128x128xf32, #tpu.memory_space<vmem>> -> memref<1x128x128xf32, #tpu.memory_space<vmem>>
        %dma_wait3A_248 = tpu.memref_squeeze %dma_wait3A_247 : memref<1x128x128xf32, #tpu.memory_space<vmem>> -> memref<128x128xf32, #tpu.memory_space<vmem>>
        %dma_wait3A_249 = arith.constant 0 : i32
        %dma_wait3A_250 = tpu.memref_slice %arg5[%add3A_202, %dma_wait3A_249] : memref<50x128xi32, #tpu.memory_space<vmem>> -> memref<1x128xi32, #tpu.memory_space<vmem>>
        %dma_wait3A_251 = tpu.memref_squeeze %dma_wait3A_250 : memref<1x128xi32, #tpu.memory_space<vmem>> -> memref<128xi32, #tpu.memory_space<vmem>>
        %dma_wait3A_252 = arith.constant 0 : i32
        %dma_wait3A_253 = arith.constant 0 : i32
        %dma_wait3A_254 = tpu.memref_slice %arg3[%dma_wait3A_252, %dma_wait3A_253] : memref<100000x128xf32, #tpu.memory_space<hbm>> -> memref<100000x128xf32, #tpu.memory_space<hbm>>
        %dma_wait3A_255 = tpu.memref_slice %arg7[%dma_wait3A_244] : memref<7x!tpu.dma_semaphore, #tpu.memory_space<semaphore_mem>> -> memref<1x!tpu.dma_semaphore, #tpu.memory_space<semaphore_mem>>
        %dma_wait3A_256 = tpu.memref_squeeze %dma_wait3A_255 : memref<1x!tpu.dma_semaphore, #tpu.memory_space<semaphore_mem>> -> memref<!tpu.dma_semaphore, #tpu.memory_space<semaphore_mem>>
        tpu.wait_indirect_dma semaphore(%dma_wait3A_256 : memref<!tpu.dma_semaphore, #tpu.memory_space<semaphore_mem>>) src(%dma_wait3A_254 : memref<100000x128xf32, #tpu.memory_space<hbm>>) dst(%dma_wait3A_248 : memref<128x128xf32, #tpu.memory_space<vmem>>)
        %mul3A_257 = arith.constant 128 : i32
        %mul3A_258 = arith.muli %add3A_202, %mul3A_257 : i32
        %add3A_259 = arith.addi %mul3A_2, %mul3A_258 : i32
        %dma_start3A_260 = arith.constant 1 : i32
        %dma_start3A_261 = arith.constant 1 : i32
        %dma_start3A_262 = arith.constant 0 : i32
        %dma_start3A_263 = arith.constant 0 : i32
        %dma_start3A_264 = tpu.memref_slice %arg6[%dma_start3A_260, %dma_start3A_262, %dma_start3A_263] : memref<7x128x128xf32, #tpu.memory_space<vmem>> -> memref<1x128x128xf32, #tpu.memory_space<vmem>>
        %dma_start3A_265 = tpu.memref_squeeze %dma_start3A_264 : memref<1x128x128xf32, #tpu.memory_space<vmem>> -> memref<128x128xf32, #tpu.memory_space<vmem>>
        %dma_start3A_266 = arith.constant 0 : i32
        %dma_start3A_267 = tpu.memref_slice %arg4[%add3A_259, %dma_start3A_266] : memref<204800x128xf32, #tpu.memory_space<hbm>> -> memref<128x128xf32, #tpu.memory_space<hbm>>
        %dma_start3A_268 = tpu.memref_slice %arg8[%dma_start3A_261] : memref<7x!tpu.dma_semaphore, #tpu.memory_space<semaphore_mem>> -> memref<1x!tpu.dma_semaphore, #tpu.memory_space<semaphore_mem>>
        %dma_start3A_269 = tpu.memref_squeeze %dma_start3A_268 : memref<1x!tpu.dma_semaphore, #tpu.memory_space<semaphore_mem>> -> memref<!tpu.dma_semaphore, #tpu.memory_space<semaphore_mem>>
        %dma_start3A_270 = arith.constant 0 : i32
        %dma_start3A_271 = tpu.memref_slice %arg4[%add3A_259, %dma_start3A_270] : memref<204800x128xf32, #tpu.memory_space<hbm>> -> memref<128x128xf32, #tpu.memory_space<hbm>>
        %dma_start3A_272 = arith.constant 0 : i32
        %dma_start3A_273 = arith.constant 0 : i32
        %dma_start3A_274 = tpu.memref_slice %arg6[%dma_start3A_260, %dma_start3A_272, %dma_start3A_273] : memref<7x128x128xf32, #tpu.memory_space<vmem>> -> memref<1x128x128xf32, #tpu.memory_space<vmem>>
        %dma_start3A_275 = tpu.memref_squeeze %dma_start3A_274 : memref<1x128x128xf32, #tpu.memory_space<vmem>> -> memref<128x128xf32, #tpu.memory_space<vmem>>
        tpu.enqueue_dma source(%dma_start3A_275 : memref<128x128xf32, #tpu.memory_space<vmem>>) target(%dma_start3A_271 : memref<128x128xf32, #tpu.memory_space<hbm>>) target_semaphore(%dma_start3A_269 : memref<!tpu.dma_semaphore, #tpu.memory_space<semaphore_mem>>)
        %add3A_276 = arith.constant 5 : i32
        %add3A_277 = arith.addi %add3A_202, %add3A_276 : i32
        %lt3A_278 = arith.constant 50 : i32
        %lt3A_279 = arith.cmpi slt, %add3A_277, %lt3A_278 : i32
        %convert_element_type3A_280 = arith.extui %lt3A_279 : i1 to i32
        %cond3A_281 = arith.constant 0 : i32
        %cond3A_282 = arith.cmpi ne, %convert_element_type3A_280, %cond3A_281 : i32
        scf.if %cond3A_282 {
          %ge3A = arith.constant 7 : i32
          %ge3A_283 = arith.cmpi sge, %add3A_277, %ge3A : i32
          %convert_element_type3A_284 = arith.extui %ge3A_283 : i1 to i32
          %cond3A_285 = arith.constant 0 : i32
          %cond3A_286 = arith.cmpi ne, %convert_element_type3A_284, %cond3A_285 : i32
          scf.if %cond3A_286 {
            %dma_wait3A_301 = arith.constant 6 : i32
            %dma_wait3A_302 = arith.constant 6 : i32
            %dma_wait3A_303 = arith.constant 0 : i32
            %dma_wait3A_304 = arith.constant 0 : i32
            %dma_wait3A_305 = tpu.memref_slice %arg6[%dma_wait3A_301, %dma_wait3A_303, %dma_wait3A_304] : memref<7x128x128xf32, #tpu.memory_space<vmem>> -> memref<1x128x128xf32, #tpu.memory_space<vmem>>
            %dma_wait3A_306 = tpu.memref_squeeze %dma_wait3A_305 : memref<1x128x128xf32, #tpu.memory_space<vmem>> -> memref<128x128xf32, #tpu.memory_space<vmem>>
            %dma_wait3A_307 = arith.constant 0 : i32
            %dma_wait3A_308 = tpu.memref_slice %arg4[%mul3A_2, %dma_wait3A_307] : memref<204800x128xf32, #tpu.memory_space<hbm>> -> memref<128x128xf32, #tpu.memory_space<hbm>>
            %dma_wait3A_309 = tpu.memref_slice %arg8[%dma_wait3A_302] : memref<7x!tpu.dma_semaphore, #tpu.memory_space<semaphore_mem>> -> memref<1x!tpu.dma_semaphore, #tpu.memory_space<semaphore_mem>>
            %dma_wait3A_310 = tpu.memref_squeeze %dma_wait3A_309 : memref<1x!tpu.dma_semaphore, #tpu.memory_space<semaphore_mem>> -> memref<!tpu.dma_semaphore, #tpu.memory_space<semaphore_mem>>
            %dma_wait3A_311 = arith.constant 0 : i32
            %dma_wait3A_312 = tpu.memref_slice %arg4[%mul3A_2, %dma_wait3A_311] : memref<204800x128xf32, #tpu.memory_space<hbm>> -> memref<128x128xf32, #tpu.memory_space<hbm>>
            %dma_wait3A_313 = arith.constant 0 : i32
            %dma_wait3A_314 = arith.constant 0 : i32
            %dma_wait3A_315 = tpu.memref_slice %arg6[%dma_wait3A_301, %dma_wait3A_313, %dma_wait3A_314] : memref<7x128x128xf32, #tpu.memory_space<vmem>> -> memref<1x128x128xf32, #tpu.memory_space<vmem>>
            %dma_wait3A_316 = tpu.memref_squeeze %dma_wait3A_315 : memref<1x128x128xf32, #tpu.memory_space<vmem>> -> memref<128x128xf32, #tpu.memory_space<vmem>>
            tpu.wait_dma2 semaphore(%dma_wait3A_310 : memref<!tpu.dma_semaphore, #tpu.memory_space<semaphore_mem>>) src(%dma_wait3A_316 : memref<128x128xf32, #tpu.memory_space<vmem>>) dst(%dma_wait3A_312 : memref<128x128xf32, #tpu.memory_space<hbm>>)
          } else {
          }
          %dma_start3A_287 = arith.constant 6 : i32
          %dma_start3A_288 = arith.constant 6 : i32
          %dma_start3A_289 = arith.constant 0 : i32
          %dma_start3A_290 = arith.constant 0 : i32
          %dma_start3A_291 = tpu.memref_slice %arg6[%dma_start3A_287, %dma_start3A_289, %dma_start3A_290] : memref<7x128x128xf32, #tpu.memory_space<vmem>> -> memref<1x128x128xf32, #tpu.memory_space<vmem>>
          %dma_start3A_292 = tpu.memref_squeeze %dma_start3A_291 : memref<1x128x128xf32, #tpu.memory_space<vmem>> -> memref<128x128xf32, #tpu.memory_space<vmem>>
          %dma_start3A_293 = arith.constant 0 : i32
          %dma_start3A_294 = tpu.memref_slice %arg5[%add3A_277, %dma_start3A_293] : memref<50x128xi32, #tpu.memory_space<vmem>> -> memref<1x128xi32, #tpu.memory_space<vmem>>
          %dma_start3A_295 = tpu.memref_squeeze %dma_start3A_294 : memref<1x128xi32, #tpu.memory_space<vmem>> -> memref<128xi32, #tpu.memory_space<vmem>>
          %dma_start3A_296 = arith.constant 0 : i32
          %dma_start3A_297 = arith.constant 0 : i32
          %dma_start3A_298 = tpu.memref_slice %arg3[%dma_start3A_296, %dma_start3A_297] : memref<100000x128xf32, #tpu.memory_space<hbm>> -> memref<100000x128xf32, #tpu.memory_space<hbm>>
          %dma_start3A_299 = tpu.memref_slice %arg7[%dma_start3A_288] : memref<7x!tpu.dma_semaphore, #tpu.memory_space<semaphore_mem>> -> memref<1x!tpu.dma_semaphore, #tpu.memory_space<semaphore_mem>>
          %dma_start3A_300 = tpu.memref_squeeze %dma_start3A_299 : memref<1x!tpu.dma_semaphore, #tpu.memory_space<semaphore_mem>> -> memref<!tpu.dma_semaphore, #tpu.memory_space<semaphore_mem>>
          tpu.enqueue_indirect_dma source(%dma_start3A_298 : memref<100000x128xf32, #tpu.memory_space<hbm>>) target(%dma_start3A_292 : memref<128x128xf32, #tpu.memory_space<vmem>>) offsets(%dma_start3A_295 : memref<128xi32, #tpu.memory_space<vmem>>) semaphore(%dma_start3A_300 : memref<!tpu.dma_semaphore, #tpu.memory_space<semaphore_mem>>)
        } else {
        }
      } else {
      }
      %add3A_208 = arith.constant 2 : i32
      %add3A_209 = arith.addi %add3A_196, %add3A_208 : i32
      %lt3A_210 = arith.constant 50 : i32
      %lt3A_211 = arith.cmpi slt, %add3A_209, %lt3A_210 : i32
      %convert_element_type3A_212 = arith.extui %lt3A_211 : i1 to i32
      %cond3A_213 = arith.constant 0 : i32
      %cond3A_214 = arith.cmpi ne, %convert_element_type3A_212, %cond3A_213 : i32
      scf.if %cond3A_214 {
        %dma_wait3A_243 = arith.constant 2 : i32
        %dma_wait3A_244 = arith.constant 2 : i32
        %dma_wait3A_245 = arith.constant 0 : i32
        %dma_wait3A_246 = arith.constant 0 : i32
        %dma_wait3A_247 = tpu.memref_slice %arg6[%dma_wait3A_243, %dma_wait3A_245, %dma_wait3A_246] : memref<7x128x128xf32, #tpu.memory_space<vmem>> -> memref<1x128x128xf32, #tpu.memory_space<vmem>>
        %dma_wait3A_248 = tpu.memref_squeeze %dma_wait3A_247 : memref<1x128x128xf32, #tpu.memory_space<vmem>> -> memref<128x128xf32, #tpu.memory_space<vmem>>
        %dma_wait3A_249 = arith.constant 0 : i32
        %dma_wait3A_250 = tpu.memref_slice %arg5[%add3A_209, %dma_wait3A_249] : memref<50x128xi32, #tpu.memory_space<vmem>> -> memref<1x128xi32, #tpu.memory_space<vmem>>
        %dma_wait3A_251 = tpu.memref_squeeze %dma_wait3A_250 : memref<1x128xi32, #tpu.memory_space<vmem>> -> memref<128xi32, #tpu.memory_space<vmem>>
        %dma_wait3A_252 = arith.constant 0 : i32
        %dma_wait3A_253 = arith.constant 0 : i32
        %dma_wait3A_254 = tpu.memref_slice %arg3[%dma_wait3A_252, %dma_wait3A_253] : memref<100000x128xf32, #tpu.memory_space<hbm>> -> memref<100000x128xf32, #tpu.memory_space<hbm>>
        %dma_wait3A_255 = tpu.memref_slice %arg7[%dma_wait3A_244] : memref<7x!tpu.dma_semaphore, #tpu.memory_space<semaphore_mem>> -> memref<1x!tpu.dma_semaphore, #tpu.memory_space<semaphore_mem>>
        %dma_wait3A_256 = tpu.memref_squeeze %dma_wait3A_255 : memref<1x!tpu.dma_semaphore, #tpu.memory_space<semaphore_mem>> -> memref<!tpu.dma_semaphore, #tpu.memory_space<semaphore_mem>>
        tpu.wait_indirect_dma semaphore(%dma_wait3A_256 : memref<!tpu.dma_semaphore, #tpu.memory_space<semaphore_mem>>) src(%dma_wait3A_254 : memref<100000x128xf32, #tpu.memory_space<hbm>>) dst(%dma_wait3A_248 : memref<128x128xf32, #tpu.memory_space<vmem>>)
        %mul3A_257 = arith.constant 128 : i32
        %mul3A_258 = arith.muli %add3A_209, %mul3A_257 : i32
        %add3A_259 = arith.addi %mul3A_2, %mul3A_258 : i32
        %dma_start3A_260 = arith.constant 2 : i32
        %dma_start3A_261 = arith.constant 2 : i32
        %dma_start3A_262 = arith.constant 0 : i32
        %dma_start3A_263 = arith.constant 0 : i32
        %dma_start3A_264 = tpu.memref_slice %arg6[%dma_start3A_260, %dma_start3A_262, %dma_start3A_263] : memref<7x128x128xf32, #tpu.memory_space<vmem>> -> memref<1x128x128xf32, #tpu.memory_space<vmem>>
        %dma_start3A_265 = tpu.memref_squeeze %dma_start3A_264 : memref<1x128x128xf32, #tpu.memory_space<vmem>> -> memref<128x128xf32, #tpu.memory_space<vmem>>
        %dma_start3A_266 = arith.constant 0 : i32
        %dma_start3A_267 = tpu.memref_slice %arg4[%add3A_259, %dma_start3A_266] : memref<204800x128xf32, #tpu.memory_space<hbm>> -> memref<128x128xf32, #tpu.memory_space<hbm>>
        %dma_start3A_268 = tpu.memref_slice %arg8[%dma_start3A_261] : memref<7x!tpu.dma_semaphore, #tpu.memory_space<semaphore_mem>> -> memref<1x!tpu.dma_semaphore, #tpu.memory_space<semaphore_mem>>
        %dma_start3A_269 = tpu.memref_squeeze %dma_start3A_268 : memref<1x!tpu.dma_semaphore, #tpu.memory_space<semaphore_mem>> -> memref<!tpu.dma_semaphore, #tpu.memory_space<semaphore_mem>>
        %dma_start3A_270 = arith.constant 0 : i32
        %dma_start3A_271 = tpu.memref_slice %arg4[%add3A_259, %dma_start3A_270] : memref<204800x128xf32, #tpu.memory_space<hbm>> -> memref<128x128xf32, #tpu.memory_space<hbm>>
        %dma_start3A_272 = arith.constant 0 : i32
        %dma_start3A_273 = arith.constant 0 : i32
        %dma_start3A_274 = tpu.memref_slice %arg6[%dma_start3A_260, %dma_start3A_272, %dma_start3A_273] : memref<7x128x128xf32, #tpu.memory_space<vmem>> -> memref<1x128x128xf32, #tpu.memory_space<vmem>>
        %dma_start3A_275 = tpu.memref_squeeze %dma_start3A_274 : memref<1x128x128xf32, #tpu.memory_space<vmem>> -> memref<128x128xf32, #tpu.memory_space<vmem>>
        tpu.enqueue_dma source(%dma_start3A_275 : memref<128x128xf32, #tpu.memory_space<vmem>>) target(%dma_start3A_271 : memref<128x128xf32, #tpu.memory_space<hbm>>) target_semaphore(%dma_start3A_269 : memref<!tpu.dma_semaphore, #tpu.memory_space<semaphore_mem>>)
        %add3A_276 = arith.constant 5 : i32
        %add3A_277 = arith.addi %add3A_209, %add3A_276 : i32
        %lt3A_278 = arith.constant 50 : i32
        %lt3A_279 = arith.cmpi slt, %add3A_277, %lt3A_278 : i32
        %convert_element_type3A_280 = arith.extui %lt3A_279 : i1 to i32
        %cond3A_281 = arith.constant 0 : i32
        %cond3A_282 = arith.cmpi ne, %convert_element_type3A_280, %cond3A_281 : i32
        scf.if %cond3A_282 {
          %ge3A = arith.constant 7 : i32
          %ge3A_283 = arith.cmpi sge, %add3A_277, %ge3A : i32
          %convert_element_type3A_284 = arith.extui %ge3A_283 : i1 to i32
          %cond3A_285 = arith.constant 0 : i32
          %cond3A_286 = arith.cmpi ne, %convert_element_type3A_284, %cond3A_285 : i32
          scf.if %cond3A_286 {
            %dma_wait3A_301 = arith.constant 0 : i32
            %dma_wait3A_302 = arith.constant 0 : i32
            %dma_wait3A_303 = arith.constant 0 : i32
            %dma_wait3A_304 = arith.constant 0 : i32
            %dma_wait3A_305 = tpu.memref_slice %arg6[%dma_wait3A_301, %dma_wait3A_303, %dma_wait3A_304] : memref<7x128x128xf32, #tpu.memory_space<vmem>> -> memref<1x128x128xf32, #tpu.memory_space<vmem>>
            %dma_wait3A_306 = tpu.memref_squeeze %dma_wait3A_305 : memref<1x128x128xf32, #tpu.memory_space<vmem>> -> memref<128x128xf32, #tpu.memory_space<vmem>>
            %dma_wait3A_307 = arith.constant 0 : i32
            %dma_wait3A_308 = tpu.memref_slice %arg4[%mul3A_2, %dma_wait3A_307] : memref<204800x128xf32, #tpu.memory_space<hbm>> -> memref<128x128xf32, #tpu.memory_space<hbm>>
            %dma_wait3A_309 = tpu.memref_slice %arg8[%dma_wait3A_302] : memref<7x!tpu.dma_semaphore, #tpu.memory_space<semaphore_mem>> -> memref<1x!tpu.dma_semaphore, #tpu.memory_space<semaphore_mem>>
            %dma_wait3A_310 = tpu.memref_squeeze %dma_wait3A_309 : memref<1x!tpu.dma_semaphore, #tpu.memory_space<semaphore_mem>> -> memref<!tpu.dma_semaphore, #tpu.memory_space<semaphore_mem>>
            %dma_wait3A_311 = arith.constant 0 : i32
            %dma_wait3A_312 = tpu.memref_slice %arg4[%mul3A_2, %dma_wait3A_311] : memref<204800x128xf32, #tpu.memory_space<hbm>> -> memref<128x128xf32, #tpu.memory_space<hbm>>
            %dma_wait3A_313 = arith.constant 0 : i32
            %dma_wait3A_314 = arith.constant 0 : i32
            %dma_wait3A_315 = tpu.memref_slice %arg6[%dma_wait3A_301, %dma_wait3A_313, %dma_wait3A_314] : memref<7x128x128xf32, #tpu.memory_space<vmem>> -> memref<1x128x128xf32, #tpu.memory_space<vmem>>
            %dma_wait3A_316 = tpu.memref_squeeze %dma_wait3A_315 : memref<1x128x128xf32, #tpu.memory_space<vmem>> -> memref<128x128xf32, #tpu.memory_space<vmem>>
            tpu.wait_dma2 semaphore(%dma_wait3A_310 : memref<!tpu.dma_semaphore, #tpu.memory_space<semaphore_mem>>) src(%dma_wait3A_316 : memref<128x128xf32, #tpu.memory_space<vmem>>) dst(%dma_wait3A_312 : memref<128x128xf32, #tpu.memory_space<hbm>>)
          } else {
          }
          %dma_start3A_287 = arith.constant 0 : i32
          %dma_start3A_288 = arith.constant 0 : i32
          %dma_start3A_289 = arith.constant 0 : i32
          %dma_start3A_290 = arith.constant 0 : i32
          %dma_start3A_291 = tpu.memref_slice %arg6[%dma_start3A_287, %dma_start3A_289, %dma_start3A_290] : memref<7x128x128xf32, #tpu.memory_space<vmem>> -> memref<1x128x128xf32, #tpu.memory_space<vmem>>
          %dma_start3A_292 = tpu.memref_squeeze %dma_start3A_291 : memref<1x128x128xf32, #tpu.memory_space<vmem>> -> memref<128x128xf32, #tpu.memory_space<vmem>>
          %dma_start3A_293 = arith.constant 0 : i32
          %dma_start3A_294 = tpu.memref_slice %arg5[%add3A_277, %dma_start3A_293] : memref<50x128xi32, #tpu.memory_space<vmem>> -> memref<1x128xi32, #tpu.memory_space<vmem>>
          %dma_start3A_295 = tpu.memref_squeeze %dma_start3A_294 : memref<1x128xi32, #tpu.memory_space<vmem>> -> memref<128xi32, #tpu.memory_space<vmem>>
          %dma_start3A_296 = arith.constant 0 : i32
          %dma_start3A_297 = arith.constant 0 : i32
          %dma_start3A_298 = tpu.memref_slice %arg3[%dma_start3A_296, %dma_start3A_297] : memref<100000x128xf32, #tpu.memory_space<hbm>> -> memref<100000x128xf32, #tpu.memory_space<hbm>>
          %dma_start3A_299 = tpu.memref_slice %arg7[%dma_start3A_288] : memref<7x!tpu.dma_semaphore, #tpu.memory_space<semaphore_mem>> -> memref<1x!tpu.dma_semaphore, #tpu.memory_space<semaphore_mem>>
          %dma_start3A_300 = tpu.memref_squeeze %dma_start3A_299 : memref<1x!tpu.dma_semaphore, #tpu.memory_space<semaphore_mem>> -> memref<!tpu.dma_semaphore, #tpu.memory_space<semaphore_mem>>
          tpu.enqueue_indirect_dma source(%dma_start3A_298 : memref<100000x128xf32, #tpu.memory_space<hbm>>) target(%dma_start3A_292 : memref<128x128xf32, #tpu.memory_space<vmem>>) offsets(%dma_start3A_295 : memref<128xi32, #tpu.memory_space<vmem>>) semaphore(%dma_start3A_300 : memref<!tpu.dma_semaphore, #tpu.memory_space<semaphore_mem>>)
        } else {
        }
      } else {
      }
      %add3A_215 = arith.constant 3 : i32
      %add3A_216 = arith.addi %add3A_196, %add3A_215 : i32
      %lt3A_217 = arith.constant 50 : i32
      %lt3A_218 = arith.cmpi slt, %add3A_216, %lt3A_217 : i32
      %convert_element_type3A_219 = arith.extui %lt3A_218 : i1 to i32
      %cond3A_220 = arith.constant 0 : i32
      %cond3A_221 = arith.cmpi ne, %convert_element_type3A_219, %cond3A_220 : i32
      scf.if %cond3A_221 {
        %dma_wait3A_243 = arith.constant 3 : i32
        %dma_wait3A_244 = arith.constant 3 : i32
        %dma_wait3A_245 = arith.constant 0 : i32
        %dma_wait3A_246 = arith.constant 0 : i32
        %dma_wait3A_247 = tpu.memref_slice %arg6[%dma_wait3A_243, %dma_wait3A_245, %dma_wait3A_246] : memref<7x128x128xf32, #tpu.memory_space<vmem>> -> memref<1x128x128xf32, #tpu.memory_space<vmem>>
        %dma_wait3A_248 = tpu.memref_squeeze %dma_wait3A_247 : memref<1x128x128xf32, #tpu.memory_space<vmem>> -> memref<128x128xf32, #tpu.memory_space<vmem>>
        %dma_wait3A_249 = arith.constant 0 : i32
        %dma_wait3A_250 = tpu.memref_slice %arg5[%add3A_216, %dma_wait3A_249] : memref<50x128xi32, #tpu.memory_space<vmem>> -> memref<1x128xi32, #tpu.memory_space<vmem>>
        %dma_wait3A_251 = tpu.memref_squeeze %dma_wait3A_250 : memref<1x128xi32, #tpu.memory_space<vmem>> -> memref<128xi32, #tpu.memory_space<vmem>>
        %dma_wait3A_252 = arith.constant 0 : i32
        %dma_wait3A_253 = arith.constant 0 : i32
        %dma_wait3A_254 = tpu.memref_slice %arg3[%dma_wait3A_252, %dma_wait3A_253] : memref<100000x128xf32, #tpu.memory_space<hbm>> -> memref<100000x128xf32, #tpu.memory_space<hbm>>
        %dma_wait3A_255 = tpu.memref_slice %arg7[%dma_wait3A_244] : memref<7x!tpu.dma_semaphore, #tpu.memory_space<semaphore_mem>> -> memref<1x!tpu.dma_semaphore, #tpu.memory_space<semaphore_mem>>
        %dma_wait3A_256 = tpu.memref_squeeze %dma_wait3A_255 : memref<1x!tpu.dma_semaphore, #tpu.memory_space<semaphore_mem>> -> memref<!tpu.dma_semaphore, #tpu.memory_space<semaphore_mem>>
        tpu.wait_indirect_dma semaphore(%dma_wait3A_256 : memref<!tpu.dma_semaphore, #tpu.memory_space<semaphore_mem>>) src(%dma_wait3A_254 : memref<100000x128xf32, #tpu.memory_space<hbm>>) dst(%dma_wait3A_248 : memref<128x128xf32, #tpu.memory_space<vmem>>)
        %mul3A_257 = arith.constant 128 : i32
        %mul3A_258 = arith.muli %add3A_216, %mul3A_257 : i32
        %add3A_259 = arith.addi %mul3A_2, %mul3A_258 : i32
        %dma_start3A_260 = arith.constant 3 : i32
        %dma_start3A_261 = arith.constant 3 : i32
        %dma_start3A_262 = arith.constant 0 : i32
        %dma_start3A_263 = arith.constant 0 : i32
        %dma_start3A_264 = tpu.memref_slice %arg6[%dma_start3A_260, %dma_start3A_262, %dma_start3A_263] : memref<7x128x128xf32, #tpu.memory_space<vmem>> -> memref<1x128x128xf32, #tpu.memory_space<vmem>>
        %dma_start3A_265 = tpu.memref_squeeze %dma_start3A_264 : memref<1x128x128xf32, #tpu.memory_space<vmem>> -> memref<128x128xf32, #tpu.memory_space<vmem>>
        %dma_start3A_266 = arith.constant 0 : i32
        %dma_start3A_267 = tpu.memref_slice %arg4[%add3A_259, %dma_start3A_266] : memref<204800x128xf32, #tpu.memory_space<hbm>> -> memref<128x128xf32, #tpu.memory_space<hbm>>
        %dma_start3A_268 = tpu.memref_slice %arg8[%dma_start3A_261] : memref<7x!tpu.dma_semaphore, #tpu.memory_space<semaphore_mem>> -> memref<1x!tpu.dma_semaphore, #tpu.memory_space<semaphore_mem>>
        %dma_start3A_269 = tpu.memref_squeeze %dma_start3A_268 : memref<1x!tpu.dma_semaphore, #tpu.memory_space<semaphore_mem>> -> memref<!tpu.dma_semaphore, #tpu.memory_space<semaphore_mem>>
        %dma_start3A_270 = arith.constant 0 : i32
        %dma_start3A_271 = tpu.memref_slice %arg4[%add3A_259, %dma_start3A_270] : memref<204800x128xf32, #tpu.memory_space<hbm>> -> memref<128x128xf32, #tpu.memory_space<hbm>>
        %dma_start3A_272 = arith.constant 0 : i32
        %dma_start3A_273 = arith.constant 0 : i32
        %dma_start3A_274 = tpu.memref_slice %arg6[%dma_start3A_260, %dma_start3A_272, %dma_start3A_273] : memref<7x128x128xf32, #tpu.memory_space<vmem>> -> memref<1x128x128xf32, #tpu.memory_space<vmem>>
        %dma_start3A_275 = tpu.memref_squeeze %dma_start3A_274 : memref<1x128x128xf32, #tpu.memory_space<vmem>> -> memref<128x128xf32, #tpu.memory_space<vmem>>
        tpu.enqueue_dma source(%dma_start3A_275 : memref<128x128xf32, #tpu.memory_space<vmem>>) target(%dma_start3A_271 : memref<128x128xf32, #tpu.memory_space<hbm>>) target_semaphore(%dma_start3A_269 : memref<!tpu.dma_semaphore, #tpu.memory_space<semaphore_mem>>)
        %add3A_276 = arith.constant 5 : i32
        %add3A_277 = arith.addi %add3A_216, %add3A_276 : i32
        %lt3A_278 = arith.constant 50 : i32
        %lt3A_279 = arith.cmpi slt, %add3A_277, %lt3A_278 : i32
        %convert_element_type3A_280 = arith.extui %lt3A_279 : i1 to i32
        %cond3A_281 = arith.constant 0 : i32
        %cond3A_282 = arith.cmpi ne, %convert_element_type3A_280, %cond3A_281 : i32
        scf.if %cond3A_282 {
          %ge3A = arith.constant 7 : i32
          %ge3A_283 = arith.cmpi sge, %add3A_277, %ge3A : i32
          %convert_element_type3A_284 = arith.extui %ge3A_283 : i1 to i32
          %cond3A_285 = arith.constant 0 : i32
          %cond3A_286 = arith.cmpi ne, %convert_element_type3A_284, %cond3A_285 : i32
          scf.if %cond3A_286 {
            %dma_wait3A_301 = arith.constant 1 : i32
            %dma_wait3A_302 = arith.constant 1 : i32
            %dma_wait3A_303 = arith.constant 0 : i32
            %dma_wait3A_304 = arith.constant 0 : i32
            %dma_wait3A_305 = tpu.memref_slice %arg6[%dma_wait3A_301, %dma_wait3A_303, %dma_wait3A_304] : memref<7x128x128xf32, #tpu.memory_space<vmem>> -> memref<1x128x128xf32, #tpu.memory_space<vmem>>
            %dma_wait3A_306 = tpu.memref_squeeze %dma_wait3A_305 : memref<1x128x128xf32, #tpu.memory_space<vmem>> -> memref<128x128xf32, #tpu.memory_space<vmem>>
            %dma_wait3A_307 = arith.constant 0 : i32
            %dma_wait3A_308 = tpu.memref_slice %arg4[%mul3A_2, %dma_wait3A_307] : memref<204800x128xf32, #tpu.memory_space<hbm>> -> memref<128x128xf32, #tpu.memory_space<hbm>>
            %dma_wait3A_309 = tpu.memref_slice %arg8[%dma_wait3A_302] : memref<7x!tpu.dma_semaphore, #tpu.memory_space<semaphore_mem>> -> memref<1x!tpu.dma_semaphore, #tpu.memory_space<semaphore_mem>>
            %dma_wait3A_310 = tpu.memref_squeeze %dma_wait3A_309 : memref<1x!tpu.dma_semaphore, #tpu.memory_space<semaphore_mem>> -> memref<!tpu.dma_semaphore, #tpu.memory_space<semaphore_mem>>
            %dma_wait3A_311 = arith.constant 0 : i32
            %dma_wait3A_312 = tpu.memref_slice %arg4[%mul3A_2, %dma_wait3A_311] : memref<204800x128xf32, #tpu.memory_space<hbm>> -> memref<128x128xf32, #tpu.memory_space<hbm>>
            %dma_wait3A_313 = arith.constant 0 : i32
            %dma_wait3A_314 = arith.constant 0 : i32
            %dma_wait3A_315 = tpu.memref_slice %arg6[%dma_wait3A_301, %dma_wait3A_313, %dma_wait3A_314] : memref<7x128x128xf32, #tpu.memory_space<vmem>> -> memref<1x128x128xf32, #tpu.memory_space<vmem>>
            %dma_wait3A_316 = tpu.memref_squeeze %dma_wait3A_315 : memref<1x128x128xf32, #tpu.memory_space<vmem>> -> memref<128x128xf32, #tpu.memory_space<vmem>>
            tpu.wait_dma2 semaphore(%dma_wait3A_310 : memref<!tpu.dma_semaphore, #tpu.memory_space<semaphore_mem>>) src(%dma_wait3A_316 : memref<128x128xf32, #tpu.memory_space<vmem>>) dst(%dma_wait3A_312 : memref<128x128xf32, #tpu.memory_space<hbm>>)
          } else {
          }
          %dma_start3A_287 = arith.constant 1 : i32
          %dma_start3A_288 = arith.constant 1 : i32
          %dma_start3A_289 = arith.constant 0 : i32
          %dma_start3A_290 = arith.constant 0 : i32
          %dma_start3A_291 = tpu.memref_slice %arg6[%dma_start3A_287, %dma_start3A_289, %dma_start3A_290] : memref<7x128x128xf32, #tpu.memory_space<vmem>> -> memref<1x128x128xf32, #tpu.memory_space<vmem>>
          %dma_start3A_292 = tpu.memref_squeeze %dma_start3A_291 : memref<1x128x128xf32, #tpu.memory_space<vmem>> -> memref<128x128xf32, #tpu.memory_space<vmem>>
          %dma_start3A_293 = arith.constant 0 : i32
          %dma_start3A_294 = tpu.memref_slice %arg5[%add3A_277, %dma_start3A_293] : memref<50x128xi32, #tpu.memory_space<vmem>> -> memref<1x128xi32, #tpu.memory_space<vmem>>
          %dma_start3A_295 = tpu.memref_squeeze %dma_start3A_294 : memref<1x128xi32, #tpu.memory_space<vmem>> -> memref<128xi32, #tpu.memory_space<vmem>>
          %dma_start3A_296 = arith.constant 0 : i32
          %dma_start3A_297 = arith.constant 0 : i32
          %dma_start3A_298 = tpu.memref_slice %arg3[%dma_start3A_296, %dma_start3A_297] : memref<100000x128xf32, #tpu.memory_space<hbm>> -> memref<100000x128xf32, #tpu.memory_space<hbm>>
          %dma_start3A_299 = tpu.memref_slice %arg7[%dma_start3A_288] : memref<7x!tpu.dma_semaphore, #tpu.memory_space<semaphore_mem>> -> memref<1x!tpu.dma_semaphore, #tpu.memory_space<semaphore_mem>>
          %dma_start3A_300 = tpu.memref_squeeze %dma_start3A_299 : memref<1x!tpu.dma_semaphore, #tpu.memory_space<semaphore_mem>> -> memref<!tpu.dma_semaphore, #tpu.memory_space<semaphore_mem>>
          tpu.enqueue_indirect_dma source(%dma_start3A_298 : memref<100000x128xf32, #tpu.memory_space<hbm>>) target(%dma_start3A_292 : memref<128x128xf32, #tpu.memory_space<vmem>>) offsets(%dma_start3A_295 : memref<128xi32, #tpu.memory_space<vmem>>) semaphore(%dma_start3A_300 : memref<!tpu.dma_semaphore, #tpu.memory_space<semaphore_mem>>)
        } else {
        }
      } else {
      }
      %add3A_222 = arith.constant 4 : i32
      %add3A_223 = arith.addi %add3A_196, %add3A_222 : i32
      %lt3A_224 = arith.constant 50 : i32
      %lt3A_225 = arith.cmpi slt, %add3A_223, %lt3A_224 : i32
      %convert_element_type3A_226 = arith.extui %lt3A_225 : i1 to i32
      %cond3A_227 = arith.constant 0 : i32
      %cond3A_228 = arith.cmpi ne, %convert_element_type3A_226, %cond3A_227 : i32
      scf.if %cond3A_228 {
        %dma_wait3A_243 = arith.constant 4 : i32
        %dma_wait3A_244 = arith.constant 4 : i32
        %dma_wait3A_245 = arith.constant 0 : i32
        %dma_wait3A_246 = arith.constant 0 : i32
        %dma_wait3A_247 = tpu.memref_slice %arg6[%dma_wait3A_243, %dma_wait3A_245, %dma_wait3A_246] : memref<7x128x128xf32, #tpu.memory_space<vmem>> -> memref<1x128x128xf32, #tpu.memory_space<vmem>>
        %dma_wait3A_248 = tpu.memref_squeeze %dma_wait3A_247 : memref<1x128x128xf32, #tpu.memory_space<vmem>> -> memref<128x128xf32, #tpu.memory_space<vmem>>
        %dma_wait3A_249 = arith.constant 0 : i32
        %dma_wait3A_250 = tpu.memref_slice %arg5[%add3A_223, %dma_wait3A_249] : memref<50x128xi32, #tpu.memory_space<vmem>> -> memref<1x128xi32, #tpu.memory_space<vmem>>
        %dma_wait3A_251 = tpu.memref_squeeze %dma_wait3A_250 : memref<1x128xi32, #tpu.memory_space<vmem>> -> memref<128xi32, #tpu.memory_space<vmem>>
        %dma_wait3A_252 = arith.constant 0 : i32
        %dma_wait3A_253 = arith.constant 0 : i32
        %dma_wait3A_254 = tpu.memref_slice %arg3[%dma_wait3A_252, %dma_wait3A_253] : memref<100000x128xf32, #tpu.memory_space<hbm>> -> memref<100000x128xf32, #tpu.memory_space<hbm>>
        %dma_wait3A_255 = tpu.memref_slice %arg7[%dma_wait3A_244] : memref<7x!tpu.dma_semaphore, #tpu.memory_space<semaphore_mem>> -> memref<1x!tpu.dma_semaphore, #tpu.memory_space<semaphore_mem>>
        %dma_wait3A_256 = tpu.memref_squeeze %dma_wait3A_255 : memref<1x!tpu.dma_semaphore, #tpu.memory_space<semaphore_mem>> -> memref<!tpu.dma_semaphore, #tpu.memory_space<semaphore_mem>>
        tpu.wait_indirect_dma semaphore(%dma_wait3A_256 : memref<!tpu.dma_semaphore, #tpu.memory_space<semaphore_mem>>) src(%dma_wait3A_254 : memref<100000x128xf32, #tpu.memory_space<hbm>>) dst(%dma_wait3A_248 : memref<128x128xf32, #tpu.memory_space<vmem>>)
        %mul3A_257 = arith.constant 128 : i32
        %mul3A_258 = arith.muli %add3A_223, %mul3A_257 : i32
        %add3A_259 = arith.addi %mul3A_2, %mul3A_258 : i32
        %dma_start3A_260 = arith.constant 4 : i32
        %dma_start3A_261 = arith.constant 4 : i32
        %dma_start3A_262 = arith.constant 0 : i32
        %dma_start3A_263 = arith.constant 0 : i32
        %dma_start3A_264 = tpu.memref_slice %arg6[%dma_start3A_260, %dma_start3A_262, %dma_start3A_263] : memref<7x128x128xf32, #tpu.memory_space<vmem>> -> memref<1x128x128xf32, #tpu.memory_space<vmem>>
        %dma_start3A_265 = tpu.memref_squeeze %dma_start3A_264 : memref<1x128x128xf32, #tpu.memory_space<vmem>> -> memref<128x128xf32, #tpu.memory_space<vmem>>
        %dma_start3A_266 = arith.constant 0 : i32
        %dma_start3A_267 = tpu.memref_slice %arg4[%add3A_259, %dma_start3A_266] : memref<204800x128xf32, #tpu.memory_space<hbm>> -> memref<128x128xf32, #tpu.memory_space<hbm>>
        %dma_start3A_268 = tpu.memref_slice %arg8[%dma_start3A_261] : memref<7x!tpu.dma_semaphore, #tpu.memory_space<semaphore_mem>> -> memref<1x!tpu.dma_semaphore, #tpu.memory_space<semaphore_mem>>
        %dma_start3A_269 = tpu.memref_squeeze %dma_start3A_268 : memref<1x!tpu.dma_semaphore, #tpu.memory_space<semaphore_mem>> -> memref<!tpu.dma_semaphore, #tpu.memory_space<semaphore_mem>>
        %dma_start3A_270 = arith.constant 0 : i32
        %dma_start3A_271 = tpu.memref_slice %arg4[%add3A_259, %dma_start3A_270] : memref<204800x128xf32, #tpu.memory_space<hbm>> -> memref<128x128xf32, #tpu.memory_space<hbm>>
        %dma_start3A_272 = arith.constant 0 : i32
        %dma_start3A_273 = arith.constant 0 : i32
        %dma_start3A_274 = tpu.memref_slice %arg6[%dma_start3A_260, %dma_start3A_272, %dma_start3A_273] : memref<7x128x128xf32, #tpu.memory_space<vmem>> -> memref<1x128x128xf32, #tpu.memory_space<vmem>>
        %dma_start3A_275 = tpu.memref_squeeze %dma_start3A_274 : memref<1x128x128xf32, #tpu.memory_space<vmem>> -> memref<128x128xf32, #tpu.memory_space<vmem>>
        tpu.enqueue_dma source(%dma_start3A_275 : memref<128x128xf32, #tpu.memory_space<vmem>>) target(%dma_start3A_271 : memref<128x128xf32, #tpu.memory_space<hbm>>) target_semaphore(%dma_start3A_269 : memref<!tpu.dma_semaphore, #tpu.memory_space<semaphore_mem>>)
        %add3A_276 = arith.constant 5 : i32
        %add3A_277 = arith.addi %add3A_223, %add3A_276 : i32
        %lt3A_278 = arith.constant 50 : i32
        %lt3A_279 = arith.cmpi slt, %add3A_277, %lt3A_278 : i32
        %convert_element_type3A_280 = arith.extui %lt3A_279 : i1 to i32
        %cond3A_281 = arith.constant 0 : i32
        %cond3A_282 = arith.cmpi ne, %convert_element_type3A_280, %cond3A_281 : i32
        scf.if %cond3A_282 {
          %ge3A = arith.constant 7 : i32
          %ge3A_283 = arith.cmpi sge, %add3A_277, %ge3A : i32
          %convert_element_type3A_284 = arith.extui %ge3A_283 : i1 to i32
          %cond3A_285 = arith.constant 0 : i32
          %cond3A_286 = arith.cmpi ne, %convert_element_type3A_284, %cond3A_285 : i32
          scf.if %cond3A_286 {
            %dma_wait3A_301 = arith.constant 2 : i32
            %dma_wait3A_302 = arith.constant 2 : i32
            %dma_wait3A_303 = arith.constant 0 : i32
            %dma_wait3A_304 = arith.constant 0 : i32
            %dma_wait3A_305 = tpu.memref_slice %arg6[%dma_wait3A_301, %dma_wait3A_303, %dma_wait3A_304] : memref<7x128x128xf32, #tpu.memory_space<vmem>> -> memref<1x128x128xf32, #tpu.memory_space<vmem>>
            %dma_wait3A_306 = tpu.memref_squeeze %dma_wait3A_305 : memref<1x128x128xf32, #tpu.memory_space<vmem>> -> memref<128x128xf32, #tpu.memory_space<vmem>>
            %dma_wait3A_307 = arith.constant 0 : i32
            %dma_wait3A_308 = tpu.memref_slice %arg4[%mul3A_2, %dma_wait3A_307] : memref<204800x128xf32, #tpu.memory_space<hbm>> -> memref<128x128xf32, #tpu.memory_space<hbm>>
            %dma_wait3A_309 = tpu.memref_slice %arg8[%dma_wait3A_302] : memref<7x!tpu.dma_semaphore, #tpu.memory_space<semaphore_mem>> -> memref<1x!tpu.dma_semaphore, #tpu.memory_space<semaphore_mem>>
            %dma_wait3A_310 = tpu.memref_squeeze %dma_wait3A_309 : memref<1x!tpu.dma_semaphore, #tpu.memory_space<semaphore_mem>> -> memref<!tpu.dma_semaphore, #tpu.memory_space<semaphore_mem>>
            %dma_wait3A_311 = arith.constant 0 : i32
            %dma_wait3A_312 = tpu.memref_slice %arg4[%mul3A_2, %dma_wait3A_311] : memref<204800x128xf32, #tpu.memory_space<hbm>> -> memref<128x128xf32, #tpu.memory_space<hbm>>
            %dma_wait3A_313 = arith.constant 0 : i32
            %dma_wait3A_314 = arith.constant 0 : i32
            %dma_wait3A_315 = tpu.memref_slice %arg6[%dma_wait3A_301, %dma_wait3A_313, %dma_wait3A_314] : memref<7x128x128xf32, #tpu.memory_space<vmem>> -> memref<1x128x128xf32, #tpu.memory_space<vmem>>
            %dma_wait3A_316 = tpu.memref_squeeze %dma_wait3A_315 : memref<1x128x128xf32, #tpu.memory_space<vmem>> -> memref<128x128xf32, #tpu.memory_space<vmem>>
            tpu.wait_dma2 semaphore(%dma_wait3A_310 : memref<!tpu.dma_semaphore, #tpu.memory_space<semaphore_mem>>) src(%dma_wait3A_316 : memref<128x128xf32, #tpu.memory_space<vmem>>) dst(%dma_wait3A_312 : memref<128x128xf32, #tpu.memory_space<hbm>>)
          } else {
          }
          %dma_start3A_287 = arith.constant 2 : i32
          %dma_start3A_288 = arith.constant 2 : i32
          %dma_start3A_289 = arith.constant 0 : i32
          %dma_start3A_290 = arith.constant 0 : i32
          %dma_start3A_291 = tpu.memref_slice %arg6[%dma_start3A_287, %dma_start3A_289, %dma_start3A_290] : memref<7x128x128xf32, #tpu.memory_space<vmem>> -> memref<1x128x128xf32, #tpu.memory_space<vmem>>
          %dma_start3A_292 = tpu.memref_squeeze %dma_start3A_291 : memref<1x128x128xf32, #tpu.memory_space<vmem>> -> memref<128x128xf32, #tpu.memory_space<vmem>>
          %dma_start3A_293 = arith.constant 0 : i32
          %dma_start3A_294 = tpu.memref_slice %arg5[%add3A_277, %dma_start3A_293] : memref<50x128xi32, #tpu.memory_space<vmem>> -> memref<1x128xi32, #tpu.memory_space<vmem>>
          %dma_start3A_295 = tpu.memref_squeeze %dma_start3A_294 : memref<1x128xi32, #tpu.memory_space<vmem>> -> memref<128xi32, #tpu.memory_space<vmem>>
          %dma_start3A_296 = arith.constant 0 : i32
          %dma_start3A_297 = arith.constant 0 : i32
          %dma_start3A_298 = tpu.memref_slice %arg3[%dma_start3A_296, %dma_start3A_297] : memref<100000x128xf32, #tpu.memory_space<hbm>> -> memref<100000x128xf32, #tpu.memory_space<hbm>>
          %dma_start3A_299 = tpu.memref_slice %arg7[%dma_start3A_288] : memref<7x!tpu.dma_semaphore, #tpu.memory_space<semaphore_mem>> -> memref<1x!tpu.dma_semaphore, #tpu.memory_space<semaphore_mem>>
          %dma_start3A_300 = tpu.memref_squeeze %dma_start3A_299 : memref<1x!tpu.dma_semaphore, #tpu.memory_space<semaphore_mem>> -> memref<!tpu.dma_semaphore, #tpu.memory_space<semaphore_mem>>
          tpu.enqueue_indirect_dma source(%dma_start3A_298 : memref<100000x128xf32, #tpu.memory_space<hbm>>) target(%dma_start3A_292 : memref<128x128xf32, #tpu.memory_space<vmem>>) offsets(%dma_start3A_295 : memref<128xi32, #tpu.memory_space<vmem>>) semaphore(%dma_start3A_300 : memref<!tpu.dma_semaphore, #tpu.memory_space<semaphore_mem>>)
        } else {
        }
      } else {
      }
      %add3A_229 = arith.constant 5 : i32
      %add3A_230 = arith.addi %add3A_196, %add3A_229 : i32
      %lt3A_231 = arith.constant 50 : i32
      %lt3A_232 = arith.cmpi slt, %add3A_230, %lt3A_231 : i32
      %convert_element_type3A_233 = arith.extui %lt3A_232 : i1 to i32
      %cond3A_234 = arith.constant 0 : i32
      %cond3A_235 = arith.cmpi ne, %convert_element_type3A_233, %cond3A_234 : i32
      scf.if %cond3A_235 {
        %dma_wait3A_243 = arith.constant 5 : i32
        %dma_wait3A_244 = arith.constant 5 : i32
        %dma_wait3A_245 = arith.constant 0 : i32
        %dma_wait3A_246 = arith.constant 0 : i32
        %dma_wait3A_247 = tpu.memref_slice %arg6[%dma_wait3A_243, %dma_wait3A_245, %dma_wait3A_246] : memref<7x128x128xf32, #tpu.memory_space<vmem>> -> memref<1x128x128xf32, #tpu.memory_space<vmem>>
        %dma_wait3A_248 = tpu.memref_squeeze %dma_wait3A_247 : memref<1x128x128xf32, #tpu.memory_space<vmem>> -> memref<128x128xf32, #tpu.memory_space<vmem>>
        %dma_wait3A_249 = arith.constant 0 : i32
        %dma_wait3A_250 = tpu.memref_slice %arg5[%add3A_230, %dma_wait3A_249] : memref<50x128xi32, #tpu.memory_space<vmem>> -> memref<1x128xi32, #tpu.memory_space<vmem>>
        %dma_wait3A_251 = tpu.memref_squeeze %dma_wait3A_250 : memref<1x128xi32, #tpu.memory_space<vmem>> -> memref<128xi32, #tpu.memory_space<vmem>>
        %dma_wait3A_252 = arith.constant 0 : i32
        %dma_wait3A_253 = arith.constant 0 : i32
        %dma_wait3A_254 = tpu.memref_slice %arg3[%dma_wait3A_252, %dma_wait3A_253] : memref<100000x128xf32, #tpu.memory_space<hbm>> -> memref<100000x128xf32, #tpu.memory_space<hbm>>
        %dma_wait3A_255 = tpu.memref_slice %arg7[%dma_wait3A_244] : memref<7x!tpu.dma_semaphore, #tpu.memory_space<semaphore_mem>> -> memref<1x!tpu.dma_semaphore, #tpu.memory_space<semaphore_mem>>
        %dma_wait3A_256 = tpu.memref_squeeze %dma_wait3A_255 : memref<1x!tpu.dma_semaphore, #tpu.memory_space<semaphore_mem>> -> memref<!tpu.dma_semaphore, #tpu.memory_space<semaphore_mem>>
        tpu.wait_indirect_dma semaphore(%dma_wait3A_256 : memref<!tpu.dma_semaphore, #tpu.memory_space<semaphore_mem>>) src(%dma_wait3A_254 : memref<100000x128xf32, #tpu.memory_space<hbm>>) dst(%dma_wait3A_248 : memref<128x128xf32, #tpu.memory_space<vmem>>)
        %mul3A_257 = arith.constant 128 : i32
        %mul3A_258 = arith.muli %add3A_230, %mul3A_257 : i32
        %add3A_259 = arith.addi %mul3A_2, %mul3A_258 : i32
        %dma_start3A_260 = arith.constant 5 : i32
        %dma_start3A_261 = arith.constant 5 : i32
        %dma_start3A_262 = arith.constant 0 : i32
        %dma_start3A_263 = arith.constant 0 : i32
        %dma_start3A_264 = tpu.memref_slice %arg6[%dma_start3A_260, %dma_start3A_262, %dma_start3A_263] : memref<7x128x128xf32, #tpu.memory_space<vmem>> -> memref<1x128x128xf32, #tpu.memory_space<vmem>>
        %dma_start3A_265 = tpu.memref_squeeze %dma_start3A_264 : memref<1x128x128xf32, #tpu.memory_space<vmem>> -> memref<128x128xf32, #tpu.memory_space<vmem>>
        %dma_start3A_266 = arith.constant 0 : i32
        %dma_start3A_267 = tpu.memref_slice %arg4[%add3A_259, %dma_start3A_266] : memref<204800x128xf32, #tpu.memory_space<hbm>> -> memref<128x128xf32, #tpu.memory_space<hbm>>
        %dma_start3A_268 = tpu.memref_slice %arg8[%dma_start3A_261] : memref<7x!tpu.dma_semaphore, #tpu.memory_space<semaphore_mem>> -> memref<1x!tpu.dma_semaphore, #tpu.memory_space<semaphore_mem>>
        %dma_start3A_269 = tpu.memref_squeeze %dma_start3A_268 : memref<1x!tpu.dma_semaphore, #tpu.memory_space<semaphore_mem>> -> memref<!tpu.dma_semaphore, #tpu.memory_space<semaphore_mem>>
        %dma_start3A_270 = arith.constant 0 : i32
        %dma_start3A_271 = tpu.memref_slice %arg4[%add3A_259, %dma_start3A_270] : memref<204800x128xf32, #tpu.memory_space<hbm>> -> memref<128x128xf32, #tpu.memory_space<hbm>>
        %dma_start3A_272 = arith.constant 0 : i32
        %dma_start3A_273 = arith.constant 0 : i32
        %dma_start3A_274 = tpu.memref_slice %arg6[%dma_start3A_260, %dma_start3A_272, %dma_start3A_273] : memref<7x128x128xf32, #tpu.memory_space<vmem>> -> memref<1x128x128xf32, #tpu.memory_space<vmem>>
        %dma_start3A_275 = tpu.memref_squeeze %dma_start3A_274 : memref<1x128x128xf32, #tpu.memory_space<vmem>> -> memref<128x128xf32, #tpu.memory_space<vmem>>
        tpu.enqueue_dma source(%dma_start3A_275 : memref<128x128xf32, #tpu.memory_space<vmem>>) target(%dma_start3A_271 : memref<128x128xf32, #tpu.memory_space<hbm>>) target_semaphore(%dma_start3A_269 : memref<!tpu.dma_semaphore, #tpu.memory_space<semaphore_mem>>)
        %add3A_276 = arith.constant 5 : i32
        %add3A_277 = arith.addi %add3A_230, %add3A_276 : i32
        %lt3A_278 = arith.constant 50 : i32
        %lt3A_279 = arith.cmpi slt, %add3A_277, %lt3A_278 : i32
        %convert_element_type3A_280 = arith.extui %lt3A_279 : i1 to i32
        %cond3A_281 = arith.constant 0 : i32
        %cond3A_282 = arith.cmpi ne, %convert_element_type3A_280, %cond3A_281 : i32
        scf.if %cond3A_282 {
          %ge3A = arith.constant 7 : i32
          %ge3A_283 = arith.cmpi sge, %add3A_277, %ge3A : i32
          %convert_element_type3A_284 = arith.extui %ge3A_283 : i1 to i32
          %cond3A_285 = arith.constant 0 : i32
          %cond3A_286 = arith.cmpi ne, %convert_element_type3A_284, %cond3A_285 : i32
          scf.if %cond3A_286 {
            %dma_wait3A_301 = arith.constant 3 : i32
            %dma_wait3A_302 = arith.constant 3 : i32
            %dma_wait3A_303 = arith.constant 0 : i32
            %dma_wait3A_304 = arith.constant 0 : i32
            %dma_wait3A_305 = tpu.memref_slice %arg6[%dma_wait3A_301, %dma_wait3A_303, %dma_wait3A_304] : memref<7x128x128xf32, #tpu.memory_space<vmem>> -> memref<1x128x128xf32, #tpu.memory_space<vmem>>
            %dma_wait3A_306 = tpu.memref_squeeze %dma_wait3A_305 : memref<1x128x128xf32, #tpu.memory_space<vmem>> -> memref<128x128xf32, #tpu.memory_space<vmem>>
            %dma_wait3A_307 = arith.constant 0 : i32
            %dma_wait3A_308 = tpu.memref_slice %arg4[%mul3A_2, %dma_wait3A_307] : memref<204800x128xf32, #tpu.memory_space<hbm>> -> memref<128x128xf32, #tpu.memory_space<hbm>>
            %dma_wait3A_309 = tpu.memref_slice %arg8[%dma_wait3A_302] : memref<7x!tpu.dma_semaphore, #tpu.memory_space<semaphore_mem>> -> memref<1x!tpu.dma_semaphore, #tpu.memory_space<semaphore_mem>>
            %dma_wait3A_310 = tpu.memref_squeeze %dma_wait3A_309 : memref<1x!tpu.dma_semaphore, #tpu.memory_space<semaphore_mem>> -> memref<!tpu.dma_semaphore, #tpu.memory_space<semaphore_mem>>
            %dma_wait3A_311 = arith.constant 0 : i32
            %dma_wait3A_312 = tpu.memref_slice %arg4[%mul3A_2, %dma_wait3A_311] : memref<204800x128xf32, #tpu.memory_space<hbm>> -> memref<128x128xf32, #tpu.memory_space<hbm>>
            %dma_wait3A_313 = arith.constant 0 : i32
            %dma_wait3A_314 = arith.constant 0 : i32
            %dma_wait3A_315 = tpu.memref_slice %arg6[%dma_wait3A_301, %dma_wait3A_313, %dma_wait3A_314] : memref<7x128x128xf32, #tpu.memory_space<vmem>> -> memref<1x128x128xf32, #tpu.memory_space<vmem>>
            %dma_wait3A_316 = tpu.memref_squeeze %dma_wait3A_315 : memref<1x128x128xf32, #tpu.memory_space<vmem>> -> memref<128x128xf32, #tpu.memory_space<vmem>>
            tpu.wait_dma2 semaphore(%dma_wait3A_310 : memref<!tpu.dma_semaphore, #tpu.memory_space<semaphore_mem>>) src(%dma_wait3A_316 : memref<128x128xf32, #tpu.memory_space<vmem>>) dst(%dma_wait3A_312 : memref<128x128xf32, #tpu.memory_space<hbm>>)
          } else {
          }
          %dma_start3A_287 = arith.constant 3 : i32
          %dma_start3A_288 = arith.constant 3 : i32
          %dma_start3A_289 = arith.constant 0 : i32
          %dma_start3A_290 = arith.constant 0 : i32
          %dma_start3A_291 = tpu.memref_slice %arg6[%dma_start3A_287, %dma_start3A_289, %dma_start3A_290] : memref<7x128x128xf32, #tpu.memory_space<vmem>> -> memref<1x128x128xf32, #tpu.memory_space<vmem>>
          %dma_start3A_292 = tpu.memref_squeeze %dma_start3A_291 : memref<1x128x128xf32, #tpu.memory_space<vmem>> -> memref<128x128xf32, #tpu.memory_space<vmem>>
          %dma_start3A_293 = arith.constant 0 : i32
          %dma_start3A_294 = tpu.memref_slice %arg5[%add3A_277, %dma_start3A_293] : memref<50x128xi32, #tpu.memory_space<vmem>> -> memref<1x128xi32, #tpu.memory_space<vmem>>
          %dma_start3A_295 = tpu.memref_squeeze %dma_start3A_294 : memref<1x128xi32, #tpu.memory_space<vmem>> -> memref<128xi32, #tpu.memory_space<vmem>>
          %dma_start3A_296 = arith.constant 0 : i32
          %dma_start3A_297 = arith.constant 0 : i32
          %dma_start3A_298 = tpu.memref_slice %arg3[%dma_start3A_296, %dma_start3A_297] : memref<100000x128xf32, #tpu.memory_space<hbm>> -> memref<100000x128xf32, #tpu.memory_space<hbm>>
          %dma_start3A_299 = tpu.memref_slice %arg7[%dma_start3A_288] : memref<7x!tpu.dma_semaphore, #tpu.memory_space<semaphore_mem>> -> memref<1x!tpu.dma_semaphore, #tpu.memory_space<semaphore_mem>>
          %dma_start3A_300 = tpu.memref_squeeze %dma_start3A_299 : memref<1x!tpu.dma_semaphore, #tpu.memory_space<semaphore_mem>> -> memref<!tpu.dma_semaphore, #tpu.memory_space<semaphore_mem>>
          tpu.enqueue_indirect_dma source(%dma_start3A_298 : memref<100000x128xf32, #tpu.memory_space<hbm>>) target(%dma_start3A_292 : memref<128x128xf32, #tpu.memory_space<vmem>>) offsets(%dma_start3A_295 : memref<128xi32, #tpu.memory_space<vmem>>) semaphore(%dma_start3A_300 : memref<!tpu.dma_semaphore, #tpu.memory_space<semaphore_mem>>)
        } else {
        }
      } else {
      }
      %add3A_236 = arith.constant 6 : i32
      %add3A_237 = arith.addi %add3A_196, %add3A_236 : i32
      %lt3A_238 = arith.constant 50 : i32
      %lt3A_239 = arith.cmpi slt, %add3A_237, %lt3A_238 : i32
      %convert_element_type3A_240 = arith.extui %lt3A_239 : i1 to i32
      %cond3A_241 = arith.constant 0 : i32
      %cond3A_242 = arith.cmpi ne, %convert_element_type3A_240, %cond3A_241 : i32
      scf.if %cond3A_242 {
        %dma_wait3A_243 = arith.constant 6 : i32
        %dma_wait3A_244 = arith.constant 6 : i32
        %dma_wait3A_245 = arith.constant 0 : i32
        %dma_wait3A_246 = arith.constant 0 : i32
        %dma_wait3A_247 = tpu.memref_slice %arg6[%dma_wait3A_243, %dma_wait3A_245, %dma_wait3A_246] : memref<7x128x128xf32, #tpu.memory_space<vmem>> -> memref<1x128x128xf32, #tpu.memory_space<vmem>>
        %dma_wait3A_248 = tpu.memref_squeeze %dma_wait3A_247 : memref<1x128x128xf32, #tpu.memory_space<vmem>> -> memref<128x128xf32, #tpu.memory_space<vmem>>
        %dma_wait3A_249 = arith.constant 0 : i32
        %dma_wait3A_250 = tpu.memref_slice %arg5[%add3A_237, %dma_wait3A_249] : memref<50x128xi32, #tpu.memory_space<vmem>> -> memref<1x128xi32, #tpu.memory_space<vmem>>
        %dma_wait3A_251 = tpu.memref_squeeze %dma_wait3A_250 : memref<1x128xi32, #tpu.memory_space<vmem>> -> memref<128xi32, #tpu.memory_space<vmem>>
        %dma_wait3A_252 = arith.constant 0 : i32
        %dma_wait3A_253 = arith.constant 0 : i32
        %dma_wait3A_254 = tpu.memref_slice %arg3[%dma_wait3A_252, %dma_wait3A_253] : memref<100000x128xf32, #tpu.memory_space<hbm>> -> memref<100000x128xf32, #tpu.memory_space<hbm>>
        %dma_wait3A_255 = tpu.memref_slice %arg7[%dma_wait3A_244] : memref<7x!tpu.dma_semaphore, #tpu.memory_space<semaphore_mem>> -> memref<1x!tpu.dma_semaphore, #tpu.memory_space<semaphore_mem>>
        %dma_wait3A_256 = tpu.memref_squeeze %dma_wait3A_255 : memref<1x!tpu.dma_semaphore, #tpu.memory_space<semaphore_mem>> -> memref<!tpu.dma_semaphore, #tpu.memory_space<semaphore_mem>>
        tpu.wait_indirect_dma semaphore(%dma_wait3A_256 : memref<!tpu.dma_semaphore, #tpu.memory_space<semaphore_mem>>) src(%dma_wait3A_254 : memref<100000x128xf32, #tpu.memory_space<hbm>>) dst(%dma_wait3A_248 : memref<128x128xf32, #tpu.memory_space<vmem>>)
        %mul3A_257 = arith.constant 128 : i32
        %mul3A_258 = arith.muli %add3A_237, %mul3A_257 : i32
        %add3A_259 = arith.addi %mul3A_2, %mul3A_258 : i32
        %dma_start3A_260 = arith.constant 6 : i32
        %dma_start3A_261 = arith.constant 6 : i32
        %dma_start3A_262 = arith.constant 0 : i32
        %dma_start3A_263 = arith.constant 0 : i32
        %dma_start3A_264 = tpu.memref_slice %arg6[%dma_start3A_260, %dma_start3A_262, %dma_start3A_263] : memref<7x128x128xf32, #tpu.memory_space<vmem>> -> memref<1x128x128xf32, #tpu.memory_space<vmem>>
        %dma_start3A_265 = tpu.memref_squeeze %dma_start3A_264 : memref<1x128x128xf32, #tpu.memory_space<vmem>> -> memref<128x128xf32, #tpu.memory_space<vmem>>
        %dma_start3A_266 = arith.constant 0 : i32
        %dma_start3A_267 = tpu.memref_slice %arg4[%add3A_259, %dma_start3A_266] : memref<204800x128xf32, #tpu.memory_space<hbm>> -> memref<128x128xf32, #tpu.memory_space<hbm>>
        %dma_start3A_268 = tpu.memref_slice %arg8[%dma_start3A_261] : memref<7x!tpu.dma_semaphore, #tpu.memory_space<semaphore_mem>> -> memref<1x!tpu.dma_semaphore, #tpu.memory_space<semaphore_mem>>
        %dma_start3A_269 = tpu.memref_squeeze %dma_start3A_268 : memref<1x!tpu.dma_semaphore, #tpu.memory_space<semaphore_mem>> -> memref<!tpu.dma_semaphore, #tpu.memory_space<semaphore_mem>>
        %dma_start3A_270 = arith.constant 0 : i32
        %dma_start3A_271 = tpu.memref_slice %arg4[%add3A_259, %dma_start3A_270] : memref<204800x128xf32, #tpu.memory_space<hbm>> -> memref<128x128xf32, #tpu.memory_space<hbm>>
        %dma_start3A_272 = arith.constant 0 : i32
        %dma_start3A_273 = arith.constant 0 : i32
        %dma_start3A_274 = tpu.memref_slice %arg6[%dma_start3A_260, %dma_start3A_272, %dma_start3A_273] : memref<7x128x128xf32, #tpu.memory_space<vmem>> -> memref<1x128x128xf32, #tpu.memory_space<vmem>>
        %dma_start3A_275 = tpu.memref_squeeze %dma_start3A_274 : memref<1x128x128xf32, #tpu.memory_space<vmem>> -> memref<128x128xf32, #tpu.memory_space<vmem>>
        tpu.enqueue_dma source(%dma_start3A_275 : memref<128x128xf32, #tpu.memory_space<vmem>>) target(%dma_start3A_271 : memref<128x128xf32, #tpu.memory_space<hbm>>) target_semaphore(%dma_start3A_269 : memref<!tpu.dma_semaphore, #tpu.memory_space<semaphore_mem>>)
        %add3A_276 = arith.constant 5 : i32
        %add3A_277 = arith.addi %add3A_237, %add3A_276 : i32
        %lt3A_278 = arith.constant 50 : i32
        %lt3A_279 = arith.cmpi slt, %add3A_277, %lt3A_278 : i32
        %convert_element_type3A_280 = arith.extui %lt3A_279 : i1 to i32
        %cond3A_281 = arith.constant 0 : i32
        %cond3A_282 = arith.cmpi ne, %convert_element_type3A_280, %cond3A_281 : i32
        scf.if %cond3A_282 {
          %ge3A = arith.constant 7 : i32
          %ge3A_283 = arith.cmpi sge, %add3A_277, %ge3A : i32
          %convert_element_type3A_284 = arith.extui %ge3A_283 : i1 to i32
          %cond3A_285 = arith.constant 0 : i32
          %cond3A_286 = arith.cmpi ne, %convert_element_type3A_284, %cond3A_285 : i32
          scf.if %cond3A_286 {
            %dma_wait3A_301 = arith.constant 4 : i32
            %dma_wait3A_302 = arith.constant 4 : i32
            %dma_wait3A_303 = arith.constant 0 : i32
            %dma_wait3A_304 = arith.constant 0 : i32
            %dma_wait3A_305 = tpu.memref_slice %arg6[%dma_wait3A_301, %dma_wait3A_303, %dma_wait3A_304] : memref<7x128x128xf32, #tpu.memory_space<vmem>> -> memref<1x128x128xf32, #tpu.memory_space<vmem>>
            %dma_wait3A_306 = tpu.memref_squeeze %dma_wait3A_305 : memref<1x128x128xf32, #tpu.memory_space<vmem>> -> memref<128x128xf32, #tpu.memory_space<vmem>>
            %dma_wait3A_307 = arith.constant 0 : i32
            %dma_wait3A_308 = tpu.memref_slice %arg4[%mul3A_2, %dma_wait3A_307] : memref<204800x128xf32, #tpu.memory_space<hbm>> -> memref<128x128xf32, #tpu.memory_space<hbm>>
            %dma_wait3A_309 = tpu.memref_slice %arg8[%dma_wait3A_302] : memref<7x!tpu.dma_semaphore, #tpu.memory_space<semaphore_mem>> -> memref<1x!tpu.dma_semaphore, #tpu.memory_space<semaphore_mem>>
            %dma_wait3A_310 = tpu.memref_squeeze %dma_wait3A_309 : memref<1x!tpu.dma_semaphore, #tpu.memory_space<semaphore_mem>> -> memref<!tpu.dma_semaphore, #tpu.memory_space<semaphore_mem>>
            %dma_wait3A_311 = arith.constant 0 : i32
            %dma_wait3A_312 = tpu.memref_slice %arg4[%mul3A_2, %dma_wait3A_311] : memref<204800x128xf32, #tpu.memory_space<hbm>> -> memref<128x128xf32, #tpu.memory_space<hbm>>
            %dma_wait3A_313 = arith.constant 0 : i32
            %dma_wait3A_314 = arith.constant 0 : i32
            %dma_wait3A_315 = tpu.memref_slice %arg6[%dma_wait3A_301, %dma_wait3A_313, %dma_wait3A_314] : memref<7x128x128xf32, #tpu.memory_space<vmem>> -> memref<1x128x128xf32, #tpu.memory_space<vmem>>
            %dma_wait3A_316 = tpu.memref_squeeze %dma_wait3A_315 : memref<1x128x128xf32, #tpu.memory_space<vmem>> -> memref<128x128xf32, #tpu.memory_space<vmem>>
            tpu.wait_dma2 semaphore(%dma_wait3A_310 : memref<!tpu.dma_semaphore, #tpu.memory_space<semaphore_mem>>) src(%dma_wait3A_316 : memref<128x128xf32, #tpu.memory_space<vmem>>) dst(%dma_wait3A_312 : memref<128x128xf32, #tpu.memory_space<hbm>>)
          } else {
          }
          %dma_start3A_287 = arith.constant 4 : i32
          %dma_start3A_288 = arith.constant 4 : i32
          %dma_start3A_289 = arith.constant 0 : i32
          %dma_start3A_290 = arith.constant 0 : i32
          %dma_start3A_291 = tpu.memref_slice %arg6[%dma_start3A_287, %dma_start3A_289, %dma_start3A_290] : memref<7x128x128xf32, #tpu.memory_space<vmem>> -> memref<1x128x128xf32, #tpu.memory_space<vmem>>
          %dma_start3A_292 = tpu.memref_squeeze %dma_start3A_291 : memref<1x128x128xf32, #tpu.memory_space<vmem>> -> memref<128x128xf32, #tpu.memory_space<vmem>>
          %dma_start3A_293 = arith.constant 0 : i32
          %dma_start3A_294 = tpu.memref_slice %arg5[%add3A_277, %dma_start3A_293] : memref<50x128xi32, #tpu.memory_space<vmem>> -> memref<1x128xi32, #tpu.memory_space<vmem>>
          %dma_start3A_295 = tpu.memref_squeeze %dma_start3A_294 : memref<1x128xi32, #tpu.memory_space<vmem>> -> memref<128xi32, #tpu.memory_space<vmem>>
          %dma_start3A_296 = arith.constant 0 : i32
          %dma_start3A_297 = arith.constant 0 : i32
          %dma_start3A_298 = tpu.memref_slice %arg3[%dma_start3A_296, %dma_start3A_297] : memref<100000x128xf32, #tpu.memory_space<hbm>> -> memref<100000x128xf32, #tpu.memory_space<hbm>>
          %dma_start3A_299 = tpu.memref_slice %arg7[%dma_start3A_288] : memref<7x!tpu.dma_semaphore, #tpu.memory_space<semaphore_mem>> -> memref<1x!tpu.dma_semaphore, #tpu.memory_space<semaphore_mem>>
          %dma_start3A_300 = tpu.memref_squeeze %dma_start3A_299 : memref<1x!tpu.dma_semaphore, #tpu.memory_space<semaphore_mem>> -> memref<!tpu.dma_semaphore, #tpu.memory_space<semaphore_mem>>
          tpu.enqueue_indirect_dma source(%dma_start3A_298 : memref<100000x128xf32, #tpu.memory_space<hbm>>) target(%dma_start3A_292 : memref<128x128xf32, #tpu.memory_space<vmem>>) offsets(%dma_start3A_295 : memref<128xi32, #tpu.memory_space<vmem>>) semaphore(%dma_start3A_300 : memref<!tpu.dma_semaphore, #tpu.memory_space<semaphore_mem>>)
        } else {
        }
      } else {
      }
    }
    %scan3A_80 = arith.constant 8 : i32
    %dma_wait3A = arith.constant 0 : i32
    %dma_wait3A_81 = arith.constant 0 : i32
    %dma_wait3A_82 = arith.constant 0 : i32
    %dma_wait3A_83 = arith.constant 0 : i32
    %dma_wait3A_84 = tpu.memref_slice %arg6[%dma_wait3A, %dma_wait3A_82, %dma_wait3A_83] : memref<7x128x128xf32, #tpu.memory_space<vmem>> -> memref<1x128x128xf32, #tpu.memory_space<vmem>>
    %dma_wait3A_85 = tpu.memref_squeeze %dma_wait3A_84 : memref<1x128x128xf32, #tpu.memory_space<vmem>> -> memref<128x128xf32, #tpu.memory_space<vmem>>
    %dma_wait3A_86 = arith.constant 0 : i32
    %dma_wait3A_87 = tpu.memref_slice %arg4[%mul3A_2, %dma_wait3A_86] : memref<204800x128xf32, #tpu.memory_space<hbm>> -> memref<128x128xf32, #tpu.memory_space<hbm>>
    %dma_wait3A_88 = tpu.memref_slice %arg8[%dma_wait3A_81] : memref<7x!tpu.dma_semaphore, #tpu.memory_space<semaphore_mem>> -> memref<1x!tpu.dma_semaphore, #tpu.memory_space<semaphore_mem>>
    %dma_wait3A_89 = tpu.memref_squeeze %dma_wait3A_88 : memref<1x!tpu.dma_semaphore, #tpu.memory_space<semaphore_mem>> -> memref<!tpu.dma_semaphore, #tpu.memory_space<semaphore_mem>>
    %dma_wait3A_90 = arith.constant 0 : i32
    %dma_wait3A_91 = tpu.memref_slice %arg4[%mul3A_2, %dma_wait3A_90] : memref<204800x128xf32, #tpu.memory_space<hbm>> -> memref<128x128xf32, #tpu.memory_space<hbm>>
    %dma_wait3A_92 = arith.constant 0 : i32
    %dma_wait3A_93 = arith.constant 0 : i32
    %dma_wait3A_94 = tpu.memref_slice %arg6[%dma_wait3A, %dma_wait3A_92, %dma_wait3A_93] : memref<7x128x128xf32, #tpu.memory_space<vmem>> -> memref<1x128x128xf32, #tpu.memory_space<vmem>>
    %dma_wait3A_95 = tpu.memref_squeeze %dma_wait3A_94 : memref<1x128x128xf32, #tpu.memory_space<vmem>> -> memref<128x128xf32, #tpu.memory_space<vmem>>
    tpu.wait_dma2 semaphore(%dma_wait3A_89 : memref<!tpu.dma_semaphore, #tpu.memory_space<semaphore_mem>>) src(%dma_wait3A_95 : memref<128x128xf32, #tpu.memory_space<vmem>>) dst(%dma_wait3A_91 : memref<128x128xf32, #tpu.memory_space<hbm>>)
    %dma_wait3A_96 = arith.constant 1 : i32
    %dma_wait3A_97 = arith.constant 1 : i32
    %dma_wait3A_98 = arith.constant 0 : i32
    %dma_wait3A_99 = arith.constant 0 : i32
    %dma_wait3A_100 = tpu.memref_slice %arg6[%dma_wait3A_96, %dma_wait3A_98, %dma_wait3A_99] : memref<7x128x128xf32, #tpu.memory_space<vmem>> -> memref<1x128x128xf32, #tpu.memory_space<vmem>>
    %dma_wait3A_101 = tpu.memref_squeeze %dma_wait3A_100 : memref<1x128x128xf32, #tpu.memory_space<vmem>> -> memref<128x128xf32, #tpu.memory_space<vmem>>
    %dma_wait3A_102 = arith.constant 0 : i32
    %dma_wait3A_103 = tpu.memref_slice %arg4[%mul3A_2, %dma_wait3A_102] : memref<204800x128xf32, #tpu.memory_space<hbm>> -> memref<128x128xf32, #tpu.memory_space<hbm>>
    %dma_wait3A_104 = tpu.memref_slice %arg8[%dma_wait3A_97] : memref<7x!tpu.dma_semaphore, #tpu.memory_space<semaphore_mem>> -> memref<1x!tpu.dma_semaphore, #tpu.memory_space<semaphore_mem>>
    %dma_wait3A_105 = tpu.memref_squeeze %dma_wait3A_104 : memref<1x!tpu.dma_semaphore, #tpu.memory_space<semaphore_mem>> -> memref<!tpu.dma_semaphore, #tpu.memory_space<semaphore_mem>>
    %dma_wait3A_106 = arith.constant 0 : i32
    %dma_wait3A_107 = tpu.memref_slice %arg4[%mul3A_2, %dma_wait3A_106] : memref<204800x128xf32, #tpu.memory_space<hbm>> -> memref<128x128xf32, #tpu.memory_space<hbm>>
    %dma_wait3A_108 = arith.constant 0 : i32
    %dma_wait3A_109 = arith.constant 0 : i32
    %dma_wait3A_110 = tpu.memref_slice %arg6[%dma_wait3A_96, %dma_wait3A_108, %dma_wait3A_109] : memref<7x128x128xf32, #tpu.memory_space<vmem>> -> memref<1x128x128xf32, #tpu.memory_space<vmem>>
    %dma_wait3A_111 = tpu.memref_squeeze %dma_wait3A_110 : memref<1x128x128xf32, #tpu.memory_space<vmem>> -> memref<128x128xf32, #tpu.memory_space<vmem>>
    tpu.wait_dma2 semaphore(%dma_wait3A_105 : memref<!tpu.dma_semaphore, #tpu.memory_space<semaphore_mem>>) src(%dma_wait3A_111 : memref<128x128xf32, #tpu.memory_space<vmem>>) dst(%dma_wait3A_107 : memref<128x128xf32, #tpu.memory_space<hbm>>)
    %dma_wait3A_112 = arith.constant 2 : i32
    %dma_wait3A_113 = arith.constant 2 : i32
    %dma_wait3A_114 = arith.constant 0 : i32
    %dma_wait3A_115 = arith.constant 0 : i32
    %dma_wait3A_116 = tpu.memref_slice %arg6[%dma_wait3A_112, %dma_wait3A_114, %dma_wait3A_115] : memref<7x128x128xf32, #tpu.memory_space<vmem>> -> memref<1x128x128xf32, #tpu.memory_space<vmem>>
    %dma_wait3A_117 = tpu.memref_squeeze %dma_wait3A_116 : memref<1x128x128xf32, #tpu.memory_space<vmem>> -> memref<128x128xf32, #tpu.memory_space<vmem>>
    %dma_wait3A_118 = arith.constant 0 : i32
    %dma_wait3A_119 = tpu.memref_slice %arg4[%mul3A_2, %dma_wait3A_118] : memref<204800x128xf32, #tpu.memory_space<hbm>> -> memref<128x128xf32, #tpu.memory_space<hbm>>
    %dma_wait3A_120 = tpu.memref_slice %arg8[%dma_wait3A_113] : memref<7x!tpu.dma_semaphore, #tpu.memory_space<semaphore_mem>> -> memref<1x!tpu.dma_semaphore, #tpu.memory_space<semaphore_mem>>
    %dma_wait3A_121 = tpu.memref_squeeze %dma_wait3A_120 : memref<1x!tpu.dma_semaphore, #tpu.memory_space<semaphore_mem>> -> memref<!tpu.dma_semaphore, #tpu.memory_space<semaphore_mem>>
    %dma_wait3A_122 = arith.constant 0 : i32
    %dma_wait3A_123 = tpu.memref_slice %arg4[%mul3A_2, %dma_wait3A_122] : memref<204800x128xf32, #tpu.memory_space<hbm>> -> memref<128x128xf32, #tpu.memory_space<hbm>>
    %dma_wait3A_124 = arith.constant 0 : i32
    %dma_wait3A_125 = arith.constant 0 : i32
    %dma_wait3A_126 = tpu.memref_slice %arg6[%dma_wait3A_112, %dma_wait3A_124, %dma_wait3A_125] : memref<7x128x128xf32, #tpu.memory_space<vmem>> -> memref<1x128x128xf32, #tpu.memory_space<vmem>>
    %dma_wait3A_127 = tpu.memref_squeeze %dma_wait3A_126 : memref<1x128x128xf32, #tpu.memory_space<vmem>> -> memref<128x128xf32, #tpu.memory_space<vmem>>
    tpu.wait_dma2 semaphore(%dma_wait3A_121 : memref<!tpu.dma_semaphore, #tpu.memory_space<semaphore_mem>>) src(%dma_wait3A_127 : memref<128x128xf32, #tpu.memory_space<vmem>>) dst(%dma_wait3A_123 : memref<128x128xf32, #tpu.memory_space<hbm>>)
    %dma_wait3A_128 = arith.constant 3 : i32
    %dma_wait3A_129 = arith.constant 3 : i32
    %dma_wait3A_130 = arith.constant 0 : i32
    %dma_wait3A_131 = arith.constant 0 : i32
    %dma_wait3A_132 = tpu.memref_slice %arg6[%dma_wait3A_128, %dma_wait3A_130, %dma_wait3A_131] : memref<7x128x128xf32, #tpu.memory_space<vmem>> -> memref<1x128x128xf32, #tpu.memory_space<vmem>>
    %dma_wait3A_133 = tpu.memref_squeeze %dma_wait3A_132 : memref<1x128x128xf32, #tpu.memory_space<vmem>> -> memref<128x128xf32, #tpu.memory_space<vmem>>
    %dma_wait3A_134 = arith.constant 0 : i32
    %dma_wait3A_135 = tpu.memref_slice %arg4[%mul3A_2, %dma_wait3A_134] : memref<204800x128xf32, #tpu.memory_space<hbm>> -> memref<128x128xf32, #tpu.memory_space<hbm>>
    %dma_wait3A_136 = tpu.memref_slice %arg8[%dma_wait3A_129] : memref<7x!tpu.dma_semaphore, #tpu.memory_space<semaphore_mem>> -> memref<1x!tpu.dma_semaphore, #tpu.memory_space<semaphore_mem>>
    %dma_wait3A_137 = tpu.memref_squeeze %dma_wait3A_136 : memref<1x!tpu.dma_semaphore, #tpu.memory_space<semaphore_mem>> -> memref<!tpu.dma_semaphore, #tpu.memory_space<semaphore_mem>>
    %dma_wait3A_138 = arith.constant 0 : i32
    %dma_wait3A_139 = tpu.memref_slice %arg4[%mul3A_2, %dma_wait3A_138] : memref<204800x128xf32, #tpu.memory_space<hbm>> -> memref<128x128xf32, #tpu.memory_space<hbm>>
    %dma_wait3A_140 = arith.constant 0 : i32
    %dma_wait3A_141 = arith.constant 0 : i32
    %dma_wait3A_142 = tpu.memref_slice %arg6[%dma_wait3A_128, %dma_wait3A_140, %dma_wait3A_141] : memref<7x128x128xf32, #tpu.memory_space<vmem>> -> memref<1x128x128xf32, #tpu.memory_space<vmem>>
    %dma_wait3A_143 = tpu.memref_squeeze %dma_wait3A_142 : memref<1x128x128xf32, #tpu.memory_space<vmem>> -> memref<128x128xf32, #tpu.memory_space<vmem>>
    tpu.wait_dma2 semaphore(%dma_wait3A_137 : memref<!tpu.dma_semaphore, #tpu.memory_space<semaphore_mem>>) src(%dma_wait3A_143 : memref<128x128xf32, #tpu.memory_space<vmem>>) dst(%dma_wait3A_139 : memref<128x128xf32, #tpu.memory_space<hbm>>)
    %dma_wait3A_144 = arith.constant 4 : i32
    %dma_wait3A_145 = arith.constant 4 : i32
    %dma_wait3A_146 = arith.constant 0 : i32
    %dma_wait3A_147 = arith.constant 0 : i32
    %dma_wait3A_148 = tpu.memref_slice %arg6[%dma_wait3A_144, %dma_wait3A_146, %dma_wait3A_147] : memref<7x128x128xf32, #tpu.memory_space<vmem>> -> memref<1x128x128xf32, #tpu.memory_space<vmem>>
    %dma_wait3A_149 = tpu.memref_squeeze %dma_wait3A_148 : memref<1x128x128xf32, #tpu.memory_space<vmem>> -> memref<128x128xf32, #tpu.memory_space<vmem>>
    %dma_wait3A_150 = arith.constant 0 : i32
    %dma_wait3A_151 = tpu.memref_slice %arg4[%mul3A_2, %dma_wait3A_150] : memref<204800x128xf32, #tpu.memory_space<hbm>> -> memref<128x128xf32, #tpu.memory_space<hbm>>
    %dma_wait3A_152 = tpu.memref_slice %arg8[%dma_wait3A_145] : memref<7x!tpu.dma_semaphore, #tpu.memory_space<semaphore_mem>> -> memref<1x!tpu.dma_semaphore, #tpu.memory_space<semaphore_mem>>
    %dma_wait3A_153 = tpu.memref_squeeze %dma_wait3A_152 : memref<1x!tpu.dma_semaphore, #tpu.memory_space<semaphore_mem>> -> memref<!tpu.dma_semaphore, #tpu.memory_space<semaphore_mem>>
    %dma_wait3A_154 = arith.constant 0 : i32
    %dma_wait3A_155 = tpu.memref_slice %arg4[%mul3A_2, %dma_wait3A_154] : memref<204800x128xf32, #tpu.memory_space<hbm>> -> memref<128x128xf32, #tpu.memory_space<hbm>>
    %dma_wait3A_156 = arith.constant 0 : i32
    %dma_wait3A_157 = arith.constant 0 : i32
    %dma_wait3A_158 = tpu.memref_slice %arg6[%dma_wait3A_144, %dma_wait3A_156, %dma_wait3A_157] : memref<7x128x128xf32, #tpu.memory_space<vmem>> -> memref<1x128x128xf32, #tpu.memory_space<vmem>>
    %dma_wait3A_159 = tpu.memref_squeeze %dma_wait3A_158 : memref<1x128x128xf32, #tpu.memory_space<vmem>> -> memref<128x128xf32, #tpu.memory_space<vmem>>
    tpu.wait_dma2 semaphore(%dma_wait3A_153 : memref<!tpu.dma_semaphore, #tpu.memory_space<semaphore_mem>>) src(%dma_wait3A_159 : memref<128x128xf32, #tpu.memory_space<vmem>>) dst(%dma_wait3A_155 : memref<128x128xf32, #tpu.memory_space<hbm>>)
    %dma_wait3A_160 = arith.constant 5 : i32
    %dma_wait3A_161 = arith.constant 5 : i32
    %dma_wait3A_162 = arith.constant 0 : i32
    %dma_wait3A_163 = arith.constant 0 : i32
    %dma_wait3A_164 = tpu.memref_slice %arg6[%dma_wait3A_160, %dma_wait3A_162, %dma_wait3A_163] : memref<7x128x128xf32, #tpu.memory_space<vmem>> -> memref<1x128x128xf32, #tpu.memory_space<vmem>>
    %dma_wait3A_165 = tpu.memref_squeeze %dma_wait3A_164 : memref<1x128x128xf32, #tpu.memory_space<vmem>> -> memref<128x128xf32, #tpu.memory_space<vmem>>
    %dma_wait3A_166 = arith.constant 0 : i32
    %dma_wait3A_167 = tpu.memref_slice %arg4[%mul3A_2, %dma_wait3A_166] : memref<204800x128xf32, #tpu.memory_space<hbm>> -> memref<128x128xf32, #tpu.memory_space<hbm>>
    %dma_wait3A_168 = tpu.memref_slice %arg8[%dma_wait3A_161] : memref<7x!tpu.dma_semaphore, #tpu.memory_space<semaphore_mem>> -> memref<1x!tpu.dma_semaphore, #tpu.memory_space<semaphore_mem>>
    %dma_wait3A_169 = tpu.memref_squeeze %dma_wait3A_168 : memref<1x!tpu.dma_semaphore, #tpu.memory_space<semaphore_mem>> -> memref<!tpu.dma_semaphore, #tpu.memory_space<semaphore_mem>>
    %dma_wait3A_170 = arith.constant 0 : i32
    %dma_wait3A_171 = tpu.memref_slice %arg4[%mul3A_2, %dma_wait3A_170] : memref<204800x128xf32, #tpu.memory_space<hbm>> -> memref<128x128xf32, #tpu.memory_space<hbm>>
    %dma_wait3A_172 = arith.constant 0 : i32
    %dma_wait3A_173 = arith.constant 0 : i32
    %dma_wait3A_174 = tpu.memref_slice %arg6[%dma_wait3A_160, %dma_wait3A_172, %dma_wait3A_173] : memref<7x128x128xf32, #tpu.memory_space<vmem>> -> memref<1x128x128xf32, #tpu.memory_space<vmem>>
    %dma_wait3A_175 = tpu.memref_squeeze %dma_wait3A_174 : memref<1x128x128xf32, #tpu.memory_space<vmem>> -> memref<128x128xf32, #tpu.memory_space<vmem>>
    tpu.wait_dma2 semaphore(%dma_wait3A_169 : memref<!tpu.dma_semaphore, #tpu.memory_space<semaphore_mem>>) src(%dma_wait3A_175 : memref<128x128xf32, #tpu.memory_space<vmem>>) dst(%dma_wait3A_171 : memref<128x128xf32, #tpu.memory_space<hbm>>)
    %dma_wait3A_176 = arith.constant 6 : i32
    %dma_wait3A_177 = arith.constant 6 : i32
    %dma_wait3A_178 = arith.constant 0 : i32
    %dma_wait3A_179 = arith.constant 0 : i32
    %dma_wait3A_180 = tpu.memref_slice %arg6[%dma_wait3A_176, %dma_wait3A_178, %dma_wait3A_179] : memref<7x128x128xf32, #tpu.memory_space<vmem>> -> memref<1x128x128xf32, #tpu.memory_space<vmem>>
    %dma_wait3A_181 = tpu.memref_squeeze %dma_wait3A_180 : memref<1x128x128xf32, #tpu.memory_space<vmem>> -> memref<128x128xf32, #tpu.memory_space<vmem>>
    %dma_wait3A_182 = arith.constant 0 : i32
    %dma_wait3A_183 = tpu.memref_slice %arg4[%mul3A_2, %dma_wait3A_182] : memref<204800x128xf32, #tpu.memory_space<hbm>> -> memref<128x128xf32, #tpu.memory_space<hbm>>
    %dma_wait3A_184 = tpu.memref_slice %arg8[%dma_wait3A_177] : memref<7x!tpu.dma_semaphore, #tpu.memory_space<semaphore_mem>> -> memref<1x!tpu.dma_semaphore, #tpu.memory_space<semaphore_mem>>
    %dma_wait3A_185 = tpu.memref_squeeze %dma_wait3A_184 : memref<1x!tpu.dma_semaphore, #tpu.memory_space<semaphore_mem>> -> memref<!tpu.dma_semaphore, #tpu.memory_space<semaphore_mem>>
    %dma_wait3A_186 = arith.constant 0 : i32
    %dma_wait3A_187 = tpu.memref_slice %arg4[%mul3A_2, %dma_wait3A_186] : memref<204800x128xf32, #tpu.memory_space<hbm>> -> memref<128x128xf32, #tpu.memory_space<hbm>>
    %dma_wait3A_188 = arith.constant 0 : i32
    %dma_wait3A_189 = arith.constant 0 : i32
    %dma_wait3A_190 = tpu.memref_slice %arg6[%dma_wait3A_176, %dma_wait3A_188, %dma_wait3A_189] : memref<7x128x128xf32, #tpu.memory_space<vmem>> -> memref<1x128x128xf32, #tpu.memory_space<vmem>>
    %dma_wait3A_191 = tpu.memref_squeeze %dma_wait3A_190 : memref<1x128x128xf32, #tpu.memory_space<vmem>> -> memref<128x128xf32, #tpu.memory_space<vmem>>
    tpu.wait_dma2 semaphore(%dma_wait3A_185 : memref<!tpu.dma_semaphore, #tpu.memory_space<semaphore_mem>>) src(%dma_wait3A_191 : memref<128x128xf32, #tpu.memory_space<vmem>>) dst(%dma_wait3A_187 : memref<128x128xf32, #tpu.memory_space<hbm>>)
    return
  }
}

</mosaic_0001>

<sc_bundles>
// kernel: kernel.3.cloned.1.call-start
scs
__scs_entry_jumppad:
0x0: {  	(pc) =	sbr.rel $0x88, $3  }
0x1: {  	(tag) =	ssettag $0x0;
	lr =	simm.s32 $0x1  }
0x2: {  	[smem:$0x3F9F] =	sst lr;
	_ =	strace $0xD0000000  }
0x3: {  	_ = 	snop  }
0x4: {  	_ = 	snop  }
0x5: {  	_ = 	snop  }
0x6: {  	_ = 	snop  }
0x7: {  	_ = 	snop  }
__scs_overlays_trampoline_lowered:
0x8: {  	[smem:$0x3FAE] =	sst s0  }
0x9: {  	[smem:$0x3FAF] =	sst s1  }
0xa: {  	[smem:$0x3FB0] =	sst s2  }
0xb: {  	[smem:$0x3FB1] =	sst s3  }
0xc: {  	[smem:$0x3FB2] =	sst s4  }
0xd: {  	[smem:$0x3FB3] =	sst s5  }
0xe: {  	[smem:$0x3FB4] =	sst s6  }
0xf: {  	[smem:$0x3FB5] =	sst s7  }
0x10: {  	[smem:$0x3FB6] =	sst s8  }
0x11: {  	[smem:$0x3FB7] =	sst s9;
	s0 =	simm.s32 @!p0 $0x0  }
0x12: {  	s1 =	sld [smem:$0x3F9D];
	s0 =	simm.s32 @p0 $0x1  }
0x13: {  	[smem:$0x3FB8] =	sst s0;
	s0 =	simm.s32 @!p1 $0x0  }
0x14: {  	s2 =	sld [smem:$0x3F9C];
	s0 =	simm.s32 @p1 $0x1  }
0x15: {  	[smem:$0x3FB9] =	sst s0;
	s0 =	simm.s32 @!p2 $0x0  }
0x16: {  	s3 =	sld [smem:$0x3FDB];
	s0 =	simm.s32 @p2 $0x1  }
0x17: {  	s4 =	simm.s32 $0x1BF5;
	[smem:$0x3FBB] =	sst s0  }
0x18: {  	s0 =	sld [smem:$0x3F9E];
	_ =	swait.ge [sflag:s4], $0x0  }
0x19: {  	s7 =	sld [smem:$0x3F9F]  }
0x1a: {  	s8 =	sadd.s32 $0xFFFFE003, lr  }
0x1b: {  	s9 =	sadd.s32 $0xFFFFFEF7, lr;
	s5 =	simm.s32 $0xFFFFFFFF;
	p2 =	slt.u32 s8, $0xFFFFF086  }
0x1c: {  	p1 =	slt.u32 s9, $0xF7A;
	s5 =	simm.s32 @!p2 $0x0  }
0x1d: {  	s5 =	simm.s32 @p1 $0x1;
	p0 =	seq.s32 s7, s2  }
0x1e: {  	s7 =	smul.u32 @!p0 $0xF7A, s2;
	p2 =	seq.s32 @!p0 s5, $0x0  }
0x1f: {  	s9 =	smul.u32 $0xF7A, s1;
	s8 =	simm.s32 @!p0 $0x1BF5;
	p2 =	por !p2, p0  }
0x20: {  	[sflag:s8] =	ssyncset.s32 @!p0 $0xFFFFF086;
	s6 =	sadd.s32 @!p0 s3, s7;
	s7 =	simm.s32 @!p0 $0x108  }
0x21: {  	s3 =	sadd.s32 s3, s9;
	s6 =	sadd.s32 @!p0 $0x88, s6;
	s7 =	simm.s32 @p2 $0x1082  }
0x22: {  	[simem:s7], [sflag:s8] =	dma.local @!p0 [hbm:s6], $0xF7A  }
0x23: {  	s9 =	sor.u32 $0xD0000000, s2;
	s6 =	simm.s32 $0x108;
	_ =	swait.ge @!p0 [sflag:s8], $0x0  }
0x24: {  	s3 =	sadd.s32 $0x88, s3;
	s6 =	simm.s32 @!p1 $0x1082;
	[sflag:s4] =	ssyncset.s32 $0xFFFFF086  }
0x25: {  	[simem:s6], [sflag:s4] =	dma.local [hbm:s3], $0xF7A  }
0x26: {  	[smem:$0x3F9F] =	sst s1;
	(tag) =	ssettag s2;
	_ =	strace s9  }
0x27: {  	s1 =	sld [smem:$0x3FAF]  }
0x28: {  	s2 =	sld [smem:$0x3FB0]  }
0x29: {  	s4 =	sld [smem:$0x3FB2]  }
0x2a: {  	p0 =	seq.s32 s5, $0x0;
	s5 =	sld [smem:$0x3FB3]  }
0x2b: {  	s6 =	sld [smem:$0x3FB4]  }
0x2c: {  	s7 =	sld [smem:$0x3FB5]  }
0x2d: {  	s3 =	simm.s32 $0x108;
	s8 =	sld [smem:$0x3FB6]  }
0x2e: {  	s3 =	simm.s32 @!p0 $0x1082;
	s9 =	sld [smem:$0x3FB7]  }
0x2f: {  	lr =	sadd.s32 s0, s3;
	s0 =	sld [smem:$0x3FAE]  }
0x30: {  	s3 =	sld [smem:$0x3FB1]  }
0x31: {  	[smem:$0x3FBA] =	sst s10  }
0x32: {  	s10 =	sld [smem:$0x3FB8];
	_ =	sdelay $0x3  }
0x33: {  	p0 =	seq.s32 s10, $0x1;
	s10 =	sld [smem:$0x3FBA];
	_ =	sdelay $0x3  }
0x34: {  	[smem:$0x3FBA] =	sst s10  }
0x35: {  	s10 =	sld [smem:$0x3FB9];
	_ =	sdelay $0x3  }
0x36: {  	p1 =	seq.s32 s10, $0x1;
	s10 =	sld [smem:$0x3FBA];
	_ =	sdelay $0x3  }
0x37: {  	[smem:$0x3FBA] =	sst s10  }
0x38: {  	s10 =	sld [smem:$0x3FBB]  }
0x39: {  	_ = 	snop;
	(pc) =	sbr.ind lr, $3  }
0x3a: {  	_ = 	snop  }
0x3b: {  	_ = 	snop  }
0x3c: {  	p2 =	seq.s32 s10, $0x1;
	s10 =	sld [smem:$0x3FBA]  }
0x3d: {  	_ =	shalt  }
0x3e: {  	_ =	shalt  }
0x3f: {  	_ =	shalt  }
0x40: {  	_ =	shalt  }
0x41: {  	_ =	shalt  }
0x42: {  	_ =	shalt  }
0x43: {  	_ =	shalt  }
0x44: {  	_ =	shalt  }
0x45: {  	_ =	shalt  }
0x46: {  	_ =	shalt  }
0x47: {  	_ =	shalt  }
0x48: {  	_ =	shalt  }
0x49: {  	_ =	shalt  }
0x4a: {  	_ =	shalt  }
0x4b: {  	_ =	shalt  }
0x4c: {  	_ =	shalt  }
0x4d: {  	_ =	shalt  }
0x4e: {  	_ =	shalt  }
0x4f: {  	_ =	shalt  }
0x50: {  	_ =	shalt  }
0x51: {  	_ =	shalt  }
0x52: {  	_ =	shalt  }
0x53: {  	_ =	shalt  }
0x54: {  	_ =	shalt  }
0x55: {  	_ =	shalt  }
0x56: {  	_ =	shalt  }
0x57: {  	_ =	shalt  }
0x58: {  	_ =	shalt  }
0x59: {  	_ =	shalt  }
0x5a: {  	_ =	shalt  }
0x5b: {  	_ =	shalt  }
0x5c: {  	_ =	shalt  }
0x5d: {  	_ =	shalt  }
0x5e: {  	_ =	shalt  }
0x5f: {  	_ =	shalt  }
0x60: {  	_ =	shalt  }
0x61: {  	_ =	shalt  }
0x62: {  	_ =	shalt  }
0x63: {  	_ =	shalt  }
0x64: {  	_ =	shalt  }
0x65: {  	_ =	shalt  }
0x66: {  	_ =	shalt  }
0x67: {  	_ =	shalt  }
0x68: {  	_ =	shalt  }
0x69: {  	_ =	shalt  }
0x6a: {  	_ =	shalt  }
0x6b: {  	_ =	shalt  }
0x6c: {  	_ =	shalt  }
0x6d: {  	_ =	shalt  }
0x6e: {  	_ =	shalt  }
0x6f: {  	_ =	shalt  }
0x70: {  	_ =	shalt  }
0x71: {  	_ =	shalt  }
0x72: {  	_ =	shalt  }
0x73: {  	_ =	shalt  }
0x74: {  	_ =	shalt  }
0x75: {  	_ =	shalt  }
0x76: {  	_ =	shalt  }
0x77: {  	_ =	shalt  }
0x78: {  	_ =	shalt  }
0x79: {  	_ =	shalt  }
0x7a: {  	_ =	shalt  }
0x7b: {  	_ =	shalt  }
0x7c: {  	_ =	shalt  }
0x7d: {  	_ =	shalt  }
0x7e: {  	_ =	shalt  }
0x7f: {  	_ =	shalt  }
0x80: {  	_ =	shalt  }
0x81: {  	_ =	shalt  }
0x82: {  	_ =	shalt  }
0x83: {  	_ =	shalt  }
0x84: {  	_ =	shalt  }
0x85: {  	_ =	shalt  }
0x86: {  	_ =	shalt  }
0x87: {  	_ =	shalt  }
.Lfunc_end0:
.L_simem_size_0:
called_computation_lowered:
.L_overlay_start_0:
0x88: {  	s2 =	sld [smem:$0x3FD9]  }
0x89: {  	s3 =	sld [smem:$0x3FFE];
	_ =	sdelay $0x1  }
0x8a: {  	s1 =	srdreg.scid  }
0x8b: {  	s0 =	sand.u32 $0x1, s1  }
0x8c: {  	s17 =	sshll.u32 s0, $0xA;
	s2 =	sadd.s32 s3, s2  }
0x8d: {  	s2 =	sadd.s32 s2, s17  }
0x8e: {  	[smem:$0x3FC6] =	sst s2  }
0x8f: {  	_ = 	snop  }
0x90: {  	s2 =	sld [smem:$0x3FC8]  }
0x91: {  	s18 =	sld [smem:$0x3FD0];
	(tm) =	ssettm $0x1  }
0x92: {  	s4 =	sld [smem:$0x3FFB];
	_ =	sdelay $0x3  }
0x93: {  	_ =	strace s4  }
0x94: {  	s4 =	sld [smem:$0x3FFC];
	_ =	sdelay $0x3  }
0x95: {  	_ =	strace s4  }
0x96: {  	s4 =	sld [smem:$0x3FFD];
	_ =	sdelay $0x3  }
0x97: {  	_ =	strace s4  }
0x98: {  	_ =	strace $0x8FFFFFFF  }
0x99: {  	s19 =	sld [smem:$0x3FDB];
	_ =	sdelay $0x1  }
0x9a: {  	s5 =	simm.s32 $_scs_section_size  }
0x9b: {  	s6 =	simm.s32 $_size__tile_overlayer_lowered;
	s7 =	simm.s32 $_tile_overlayer_lowered  }
0x9c: {  	s22 =	simm.s32 $0x1BFF;
	s21 =	sshll.u32 s7, $0x1;
	s4 =	sadd.s32 s5, s19  }
0x9d: {  	s8 =	simm.s32 $0x0;
	s20 =	sshll.u32 s6, $0x1;
	s6 =	sadd.s32 s21, s4  }
0x9e: {  	[timem:s8], [sflag:s22] =	dma.local [hbm:s6], s20  }
0x9f: {  	_ =	swait.ge [sflag:s22], s20  }
0xa0: {  	s5 =	ssub.s32 $0x0, s20;
	[sflag:s22] =	ssyncset.done $0x0  }
0xa1: {  	[sflag:s22] =	ssyncadd.s32 s5;
	_ =	sdelay $0x1  }
0xa2: {  	s23 =	simm.s32 $0x1B8B  }
0xa3: {  	_ =	swait.ge [sflag:s23], $0x1  }
0xa4: {  	[sflag:s23] =	ssyncset.done $0x0  }
0xa5: {  	s25 =	simm.s32 $0x1B8E;
	s24 =	sld [smem:$0x3FFE];
	[sflag:s23] =	ssyncadd.s32 $0xFFFFFFFF  }
0xa6: {  	s26 =	simm.s32 $execute0_lowered;
	[smem:$0x3FD2] =	sst s25  }
0xa7: {  	s6 =	sshll.u32 s26, $0x1;
	_ =	strace $0x80000046;
	[dreg:$0x1] =	wrdreg $0xFFFFFFFF  }
0xa8: {  	s28 =	simm.s32 $_size_execute0_lowered;
	s4 =	sadd.s32 s4, s6;
	[dreg:$0x0] =	wrdreg $0x0  }
0xa9: {  	s6 =	sshll.u32 s28, $0x1;
	[dreg:$0x2] =	wrdreg s4  }
0xaa: {  	[dreg:$0x3] =	wrdreg s6  }
0xab: {  	[dreg:$0x4] =	wrdreg $0xC0  }
0xac: {  	_ =	task [dreg:s8], $0x5FFFF  }
0xad: {  	[dreg:$0x1] =	wrdreg $0xFFFFFFFF  }
0xae: {  	[dreg:$0x0] =	wrdreg $0x60  }
0xaf: {  	[dreg:$0x2] =	wrdreg s24  }
0xb0: {  	[dreg:$0x3] =	wrdreg s2  }
0xb1: {  	[dreg:$0x4] =	wrdreg s18  }
0xb2: {  	[dreg:$0x5] =	wrdreg $0x9  }
0xb3: {  	_ =	task.clear_ibuf [dreg:s8], $0x6FFFF;
	_ =	strace $0x90000046  }
0xb4: {  	s29 =	simm.s32 $0x9;
	_ =	strace $0x80000048  }
0xb5: {  	_ =	swait.ge [sflag:s29], $0x1  }
0xb6: {  	[sflag:s29] =	ssyncadd.s32 $0xFFFFFFFF  }
0xb7: {  	_ =	strace $0x90000048  }
0xb8: {  	_ =	sfence  }
0xb9: {  	s30 =	sld [smem:$0x0];
	_ =	sdelay $0x2  }
0xba: {  	s31 =	sshll.u32 s1, $0xD;
	s1 =	sshrl.u32 s1, $0x2  }
0xbb: {  	s3 =	sand.u32 $0x4000, s31;
	s1 =	sadd.s32 s1, s30  }
0xbc: {  	s0 =	sor.u32 s3, s0;
	s1 =	sshll.u32 s1, $0x11  }
0xbd: {  	s0 =	sor.u32 s1, s0  }
0xbe: {  	s0 =	sadd.s32 $0x8F2B, s0  }
0xbf: {  	[sflag:s0] =	ssyncadd.remote.s32 $0x1  }
0xc0: {  	_ =	sfence.sel $0xFFFF  }
0xc1: {  	[dreg:$0x0] =	wrdreg $0xFFFFFFFF;
	(pc) =	sbr.abs _section_cstart, $3  }
0xc2: {  	[dreg:$0x1] =	wrdreg $0xFFFFFFFF  }
0xc3: {  	_ =	task.clear_ibuf [dreg:s8], $0x2FFFF;
	_ =	strace $0x9FFFFFFF  }
0xc4: {  	(tm) =	ssettm $0x7FFFFFFF  }
0xc5: {  	_ =	shalt  }
tec
execute0_lowered:
.L_overlay_start_1:
0x0: {  	(tag) =	ssettag $0x1  }
0x1: {  	s1 =	rddreg [dreg:$0x0]  }
0x2: {  	s0 =	srdreg.scid;
	s2 =	rddreg [dreg:$0x1]  }
0x3: {  	s8 =	stileid.u32;
	s4 =	rddreg [dreg:$0x2];
	s14 =	simm.s32 $0x80  }
0x4: {  	s28 =	simm.s32 $0x3;
	s29 =	simm.s32 $0x8;
	s6 =	smul.u32 $0x32000, s8  }
0x5: {  	s0 =	sand.u32 $0x1, s0;
	s3 =	sshll.u32 s8, $0x1;
	s8 =	smul.u32 $0x190000, s8  }
0x6: {  	s30 =	simm.s32 $0x4;
	s31 =	simm.s32 $0x6;
	s10 =	smul.u32 $0xC8000, s0  }
0x7: {  	s3 =	sor.u32 s0, s3;
	s7 =	ssub.s32 $0x2, s0;
	s0 =	smul.u32 $0x19000, s0  }
0x8: {  	s5 =	smul.u32 $0x380, s3;
	s3 =	simm.s32 $0x0;
	s9 =	sshrl.u32 s7, $0x1  }
0x9: {  	s16 =	sadd.s32 s6, s4;
	[smem:$0x7FF] =	sst s3;
	s15 =	ssub.s32 s7, s9  }
0xa: {  	s10 =	sadd.s32 s10, s8;
	s6 =	sadd.s32 s0, s16;
	_ =	strace $0x80000047  }
0xb: {  	s1 =	sadd.s32 s5, s1;
	s5 =	smax.u32 s15, $0x1;
	s17 =	sadd.s32 $0x18000, s10  }
0xc: {  	s18 =	sadd.s32 $0x10000, s10;
	s19 =	sadd.s32 $0x14000, s10;
	s22 =	sadd.s32 $0xC000, s10  }
0xd: {  	s23 =	sadd.s32 $0x8000, s10;
	s24 =	sor.u32 $0x4000, s10;
	s15 =	simm.s32 $0x1C00  }
0xe: {  	s1 =	sadd.s32 $0x400, s1;
	[dreg:$0x5] =	wrdreg s5;
	s0 =	sshrl.u32 s17, $0x3  }
0xf: {  	s20 =	sshrl.u32 s18, $0x3;
	s21 =	sshrl.u32 s19, $0x3;
	s25 =	sshrl.u32 s23, $0x3  }
0x10: {  	s26 =	sshrl.u32 s24, $0x3;
	s18 =	simm.s32 $0x9C00;
	s23 =	simm.s32 $0x1  }
.Ltmp0:
0x11: {  	s24 =	simm.s32 $0x15C00;
	[dreg:$0x4] =	wrdreg s1;
	(pc) =	sbr.rel .LBB2_1-.Ltmp0, $4  }
0x12: {  	s7 =	sadd.s32 s0, s4;
	s8 =	sadd.s32 s20, s4;
	s9 =	sadd.s32 s21, s4  }
0x13: {  	s0 =	sshrl.u32 s22, $0x3;
	s11 =	sadd.s32 s25, s4;
	s12 =	sadd.s32 s26, s4  }
0x14: {  	s20 =	simm.s32 $0xDC00;
	s25 =	simm.s32 $0x2;
	s26 =	simm.s32 $0x19C00  }
0x15: {  	s21 =	simm.s32 $0xD;
	s10 =	sadd.s32 s0, s4;
	s4 =	simm.s32 $0x0  }
.LBB2_6:
0x16: {  	_ =	swait.ge [sflag:s29], $0x4000  }
0x17: {  	[sflag:s29] =	ssyncset.done $0x0  }
0x18: {  	s0 =	simm.s32 $0x9;
	[sflag:s29] =	ssyncadd.s32 $0xFFFFC000  }
0x19: {  	_ =	swait.ge [sflag:s0], $0x4000  }
0x1a: {  	[sflag:s0] =	ssyncset.done $0x0  }
0x1b: {  	s16 =	simm.s32 $0xA;
	[sflag:s0] =	ssyncadd.s32 $0xFFFFC000  }
0x1c: {  	_ =	swait.ge [sflag:s16], $0x4000  }
0x1d: {  	[sflag:s16] =	ssyncset.done $0x0  }
0x1e: {  	s17 =	simm.s32 $0xB;
	[sflag:s16] =	ssyncadd.s32 $0xFFFFC000  }
0x1f: {  	_ =	swait.ge [sflag:s17], $0x4000  }
0x20: {  	[sflag:s17] =	ssyncset.done $0x0  }
0x21: {  	s19 =	simm.s32 $0xC;
	[sflag:s17] =	ssyncadd.s32 $0xFFFFC000  }
0x22: {  	_ =	swait.ge [sflag:s19], $0x4000  }
0x23: {  	[sflag:s19] =	ssyncset.done $0x0  }
0x24: {  	[sflag:s19] =	ssyncadd.s32 $0xFFFFC000  }
0x25: {  	_ =	swait.ge [sflag:s21], $0x4000  }
0x26: {  	[sflag:s21] =	ssyncset.done $0x0  }
0x27: {  	s1 =	simm.s32 $0xE;
	[sflag:s21] =	ssyncadd.s32 $0xFFFFC000  }
0x28: {  	_ =	swait.ge [sflag:s1], $0x4000  }
0x29: {  	s4 =	rddreg [dreg:$0x6]  }
0x2a: {  	s22 =	rddreg [dreg:$0x5];
	s4 =	sadd.s32 $0x1, s4  }
0x2b: {  	p0 =	sne.s32 s4, s22  }
.Ltmp1:
0x2c: {  	_ = 	snop;
	(pc) =	sbr.rel @!p0 .LBB2_7-.Ltmp1, $3  }
0x2d: {  	_ =	sdelay $0x1  }
0x2e: {  	[sflag:s1] =	ssyncset.done $0x0  }
0x2f: {  	[sflag:s1] =	ssyncadd.s32 $0xFFFFC000  }
.LBB2_1:
0x30: {  	[dreg:$0x6] =	wrdreg s4  }
0x31: {  	s0 =	rddreg [dreg:$0x4];
	s13 =	simm.s32 $0xF  }
0x32: {  	[tilespmem:s3], [sflag:$0xF] =	stream.linear.gather [hbm4b:s0+s3], $0x1900, $0x38;
	[tilespmem:$0x1DC00] =	vst v63  }
0x33: {  	_ =	swait.ge [sflag:s13], $0x1900  }
0x34: {  	[sflag:s13] =	ssyncset.done $0x0  }
0x35: {  	[sflag:s13] =	ssyncadd.s32 $0xFFFFE700  }
0x36: {  	[tilespmem:s15], [sflag:$0x1] =	stream.indirect.gather [hbm4b:s2+s14], $0x80, s3, s14, $0xb8;
	[tilespmem:$0x1DC00] =	vst v63  }
0x37: {  	s16 =	simm.s32 $0x5C00  }
0x38: {  	[tilespmem:s16], [sflag:$0x2] =	stream.indirect.gather [hbm4b:s2+s14], $0x80, s14, s14, $0xb8;
	[tilespmem:$0x1DC00] =	vst v63  }
0x39: {  	s17 =	simm.s32 $0x100  }
0x3a: {  	[tilespmem:s18], [sflag:$0x3] =	stream.indirect.gather [hbm4b:s2+s14], $0x80, s17, s14, $0xb8;
	[tilespmem:$0x1DC00] =	vst v63  }
.Ltmp2:
0x3b: {  	s19 =	simm.s32 $0x180;
	(pc) =	sbr.rel .LBB2_2-.Ltmp2, $4  }
0x3c: {  	[tilespmem:s20], [sflag:$0x4] =	stream.indirect.gather [hbm4b:s2+s14], $0x80, s19, s14, $0xb8;
	[tilespmem:$0x1DC00] =	vst v63  }
0x3d: {  	s22 =	simm.s32 $0x200;
	s1 =	simm.s32 $0x11C00  }
0x3e: {  	[tilespmem:s1], [sflag:$0x5] =	stream.indirect.gather [hbm4b:s2+s14], $0x80, s22, s14, $0xb8;
	[tilespmem:$0x1DC00] =	vst v63  }
0x3f: {  	s5 =	simm.s32 $0x580;
	s13 =	simm.s32 $0x0;
	s1 =	simm.s32 $0x0  }
.LBB2_5:
0x40: {  	s0 =	sadd.s32 $0xFFFFFD00, s5  }
0x41: {  	[tilespmem:s24], [sflag:$0x6] =	stream.indirect.gather [hbm4b:s2+s14], $0x80, s0, s14, $0xb8;
	[tilespmem:$0x1DC00] =	vst v63  }
0x42: {  	_ =	swait.ge [sflag:s25], $0x4000  }
0x43: {  	s16 =	sadd.s32 s13, s12;
	p0 =	seq.s32 s13, $0x0;
	[sflag:s25] =	ssyncset.done $0x0  }
0x44: {  	s4 =	simm.s32 $0x5C00;
	s0 =	simm.s32 @!p0 $0xE;
	[sflag:s25] =	ssyncadd.s32 $0xFFFFC000  }
0x45: {  	[hbm4b:s16+s3] =	stream.linear.scatter [tilespmem:s4], [sflag:$0x9], $0x4000, $0x38;
	[tilespmem:$0x1DC00] =	vst v63  }
0x46: {  	_ =	swait.ge @!p0 [sflag:s0], $0x4000  }
0x47: {  	[sflag:s0] =	ssyncset.done @!p0 $0x0  }
0x48: {  	s17 =	sadd.s32 $0xFFFFFD80, s5;
	[sflag:s0] =	ssyncadd.s32 @!p0 $0xFFFFC000  }
0x49: {  	[tilespmem:s26], [sflag:$0x7] =	stream.indirect.gather [hbm4b:s2+s14], $0x80, s17, s14, $0xb8;
	[tilespmem:$0x1DC00] =	vst v63  }
0x4a: {  	_ =	swait.ge [sflag:s28], $0x4000  }
0x4b: {  	[sflag:s28] =	ssyncset.done $0x0  }
0x4c: {  	s19 =	sadd.s32 s13, s11;
	[sflag:s28] =	ssyncadd.s32 $0xFFFFC000  }
0x4d: {  	[hbm4b:s19+s3] =	stream.linear.scatter [tilespmem:s18], [sflag:$0xA], $0x4000, $0x38;
	[tilespmem:$0x1DC00] =	vst v63  }
0x4e: {  	_ =	swait.ge [sflag:s29], $0x4000  }
0x4f: {  	[sflag:s29] =	ssyncset.done $0x0  }
0x50: {  	s22 =	sadd.s32 $0xFFFFFE00, s5;
	[sflag:s29] =	ssyncadd.s32 $0xFFFFC000  }
0x51: {  	[tilespmem:s15], [sflag:$0x1] =	stream.indirect.gather [hbm4b:s2+s14], $0x80, s22, s14, $0xb8;
	[tilespmem:$0x1DC00] =	vst v63  }
0x52: {  	_ =	swait.ge [sflag:s30], $0x4000  }
0x53: {  	p0 =	sgt.u32 s1, $0x5;
	[sflag:s30] =	ssyncset.done $0x0  }
0x54: {  	s4 =	sadd.s32 s13, s10;
	s0 =	simm.s32 @p0 $0x5;
	[sflag:s30] =	ssyncadd.s32 $0xFFFFC000  }
0x55: {  	[hbm4b:s4+s3] =	stream.linear.scatter [tilespmem:s20], [sflag:$0xB], $0x4000, $0x38;
	[tilespmem:$0x1DC00] =	vst v63  }
0x56: {  	_ =	swait.ge @p0 [sflag:s0], $0x4000  }
0x57: {  	s17 =	simm.s32 @p0 $0x0;
	[sflag:s0] =	ssyncset.done @p0 $0x0  }
0x58: {  	s19 =	simm.s32 @p0 $0x11C00;
	[sflag:s0] =	ssyncadd.s32 @p0 $0xFFFFC000;
	s0 =	sadd.s32 @p0 s13, s8  }
0x59: {  	[hbm4b:s0+s17] =	stream.linear.scatter @p0 [tilespmem:s19], [sflag:$0xC], $0x4000, $0x38;
	[tilespmem:$0x1DC00] =	vst v63  }
0x5a: {  	s0 =	simm.s32 @!p0 $0x9  }
0x5b: {  	_ =	swait.ge @!p0 [sflag:s0], $0x4000  }
0x5c: {  	s22 =	simm.s32 @!p0 $0x5C00;
	[sflag:s0] =	ssyncset.done @!p0 $0x0  }
0x5d: {  	s19 =	simm.s32 @!p0 $0x80;
	[sflag:s0] =	ssyncadd.s32 @!p0 $0xFFFFC000;
	s0 =	sadd.s32 @!p0 $0xFFFFFE80, s5  }
0x5e: {  	[tilespmem:s22], [sflag:$0x2] =	stream.indirect.gather @!p0 [hbm4b:s2+s19], $0x80, s0, s19, $0xb8;
	[tilespmem:$0x1DC00] =	vst v63  }
0x5f: {  	s0 =	simm.s32 @!p0 $0x5  }
0x60: {  	_ =	swait.ge @!p0 [sflag:s0], $0x4000  }
0x61: {  	s4 =	simm.s32 @!p0 $0x11C00;
	[sflag:s0] =	ssyncset.done @!p0 $0x0  }
0x62: {  	s22 =	simm.s32 @!p0 $0x0;
	[sflag:s0] =	ssyncadd.s32 @!p0 $0xFFFFC000;
	s0 =	sadd.s32 @!p0 s13, s8  }
0x63: {  	[hbm4b:s0+s22] =	stream.linear.scatter @!p0 [tilespmem:s4], [sflag:$0xC], $0x4000, $0x38;
	[tilespmem:$0x1DC00] =	vst v63  }
0x64: {  	s0 =	simm.s32 @!p0 $0xA  }
0x65: {  	_ =	swait.ge @!p0 [sflag:s0], $0x4000  }
0x66: {  	[sflag:s0] =	ssyncset.done @!p0 $0x0  }
0x67: {  	s16 =	simm.s32 @!p0 $0x9C00;
	[sflag:s0] =	ssyncadd.s32 @!p0 $0xFFFFC000;
	s0 =	sadd.s32 @!p0 $0xFFFFFF00, s5  }
0x68: {  	[tilespmem:s16], [sflag:$0x3] =	stream.indirect.gather @!p0 [hbm4b:s2+s19], $0x80, s0, s19, $0xb8;
	[tilespmem:$0x1DC00] =	vst v63  }
0x69: {  	_ =	swait.ge [sflag:s31], $0x4000  }
0x6a: {  	[sflag:s31] =	ssyncset.done $0x0  }
0x6b: {  	s16 =	sadd.s32 s13, s9;
	s0 =	simm.s32 @p0 $0x7;
	[sflag:s31] =	ssyncadd.s32 $0xFFFFC000  }
0x6c: {  	[hbm4b:s16+s3] =	stream.linear.scatter [tilespmem:s24], [sflag:$0xD], $0x4000, $0x38;
	[tilespmem:$0x1DC00] =	vst v63  }
0x6d: {  	_ =	swait.ge @p0 [sflag:s0], $0x4000  }
0x6e: {  	[sflag:s0] =	ssyncset.done @p0 $0x0  }
0x6f: {  	s16 =	simm.s32 @p0 $0x19C00;
	[sflag:s0] =	ssyncadd.s32 @p0 $0xFFFFC000;
	s0 =	sadd.s32 @p0 s13, s7  }
0x70: {  	[hbm4b:s0+s17] =	stream.linear.scatter @p0 [tilespmem:s16], [sflag:$0xE], $0x4000, $0x38;
	[tilespmem:$0x1DC00] =	vst v63  }
0x71: {  	s0 =	simm.s32 @!p0 $0xB  }
0x72: {  	_ =	swait.ge @!p0 [sflag:s0], $0x4000  }
0x73: {  	[sflag:s0] =	ssyncset.done @!p0 $0x0  }
0x74: {  	s16 =	simm.s32 @!p0 $0xDC00;
	[sflag:s0] =	ssyncadd.s32 @!p0 $0xFFFFC000;
	s0 =	sadd.s32 @!p0 $0xFFFFFF80, s5  }
0x75: {  	[tilespmem:s16], [sflag:$0x4] =	stream.indirect.gather @!p0 [hbm4b:s2+s19], $0x80, s0, s19, $0xb8;
	[tilespmem:$0x1DC00] =	vst v63  }
0x76: {  	s0 =	simm.s32 @!p0 $0x7  }
0x77: {  	_ =	swait.ge @!p0 [sflag:s0], $0x4000  }
0x78: {  	[sflag:s0] =	ssyncset.done @!p0 $0x0  }
0x79: {  	s16 =	simm.s32 @!p0 $0x19C00;
	[sflag:s0] =	ssyncadd.s32 @!p0 $0xFFFFC000;
	s0 =	sadd.s32 @!p0 s13, s7  }
0x7a: {  	[hbm4b:s0+s22] =	stream.linear.scatter @!p0 [tilespmem:s16], [sflag:$0xE], $0x4000, $0x38;
	[tilespmem:$0x1DC00] =	vst v63  }
0x7b: {  	s0 =	simm.s32 @!p0 $0xC  }
0x7c: {  	_ =	swait.ge @!p0 [sflag:s0], $0x4000  }
0x7d: {  	[sflag:s0] =	ssyncset.done @!p0 $0x0  }
0x7e: {  	s13 =	sadd.s32 $0x3800, s13;
	[sflag:s0] =	ssyncadd.s32 @!p0 $0xFFFFC000  }
0x7f: {  	[tilespmem:s4], [sflag:$0x5] =	stream.indirect.gather @!p0 [hbm4b:s2+s19], $0x80, s5, s19, $0xb8;
	[tilespmem:$0x1DC00] =	vst v63  }
0x80: {  	p0 =	sne.s32 s13, $0x1C000  }
.Ltmp3:
0x81: {  	_ = 	snop;
	(pc) =	sbr.rel @!p0 .LBB2_6-.Ltmp3, $2  }
0x82: {  	_ =	sdelay $0x2  }
0x83: {  	s1 =	sadd.s32 $0x1, s1;
	s5 =	sadd.s32 $0x380, s5  }
.LBB2_2:
0x84: {  	p0 =	seq.s32 s1, $0x0  }
.Ltmp4:
0x85: {  	_ = 	snop;
	(pc) =	sbr.rel @p0 .LBB2_5-.Ltmp4, $4  }
0x86: {  	_ =	swait.ge [sflag:s23], $0x4000  }
0x87: {  	[sflag:s23] =	ssyncset.done $0x0  }
0x88: {  	s0 =	sadd.s32 s13, s6;
	[sflag:s23] =	ssyncadd.s32 $0xFFFFC000  }
0x89: {  	[hbm4b:s0+s3] =	stream.linear.scatter [tilespmem:s15], [sflag:$0x8], $0x4000, $0x38;
	[tilespmem:$0x1DC00] =	vst v63  }
0x8a: {  	p0 =	seq.s32 s1, $0x7  }
.Ltmp5:
0x8b: {  	_ = 	snop;
	(pc) =	sbr.rel @p0 .LBB2_6-.Ltmp5, $1  }
0x8c: {  	_ =	sdelay $0x3  }
.Ltmp6:
0x8d: {  	(pc) =	sbr.rel .LBB2_5-.Ltmp6, $4  }
0x8e: {  	_ = 	snop  }
0x8f: {  	_ =	swait.ge [sflag:s21], $0x4000  }
0x90: {  	[sflag:s21] =	ssyncset.done $0x0  }
0x91: {  	[sflag:s21] =	ssyncadd.s32 $0xFFFFC000  }
.LBB2_7:
0x92: {  	_ =	sfence.sel $0x180000  }
0x93: {  	[bflag:$0x0] =	sbarrier.arrive $0xFFFF  }
0x94: {  	_ =	strace $0x90000047  }
0x95: {  	s0 =	stileid.u32;
	[bflag:$0x2] =	sbarrier.arrive $0xFFFF  }
0x96: {  	p0 =	sne.s32 s0, $0x0;
	s0 =	rddreg [dreg:$0x3]  }
0x97: {  	s0 =	sadd.s32 @!p0 $0x100000, s0  }
0x98: {  	[sflag:s0] =	ssyncadd.tile.s32 @!p0 $0x1;
	_ =	shalt  }
.Lfunc_end2:
_tile_overlayer_lowered:
.L_overlay_start_2:
0x99: {  	(tag) =	ssettag $0x2  }
0x9a: {  	s0 =	rddreg [dreg:$0x0];
	s2 =	stileid.u32  }
0x9b: {  	s1 =	rddreg [dreg:$0x1];
	p0 =	sne.s32 s2, $0x0  }
0x9c: {  	s3 =	rddreg [dreg:$0x2];
	[bflag:$0x3] =	sbarrier.arrive $0xFFFF;
	s2 =	simm.s32 @!p0 $0x1C0F  }
0x9d: {  	[timem:s3], [sflag:s2] =	dma.local @!p0 [hbm:s0], s1  }
0x9e: {  	s0 =	simm.s32 @!p0 $0xF  }
0x9f: {  	_ =	swait.ge @!p0 [sflag:s0], s1  }
0xa0: {  	s1 =	ssub.s32 @!p0 $0x0, s1;
	[sflag:s0] =	ssyncset.done @!p0 $0x0  }
0xa1: {  	[sflag:s0] =	ssyncadd.s32 @!p0 s1  }
0xa2: {  	[bflag:$0x3] =	sbarrier.arrive $0xFFFF  }
0xa3: {  	_ =	shalt  }

</sc_bundles>
